<compile_context>
chip_gen: v7x
topology: tpu7x:2x2x1
jax: 0.10.2.dev20260603
libtpu: 0.0.44.dev20260713+nightly
codegen_flags: <defaults>
</compile_context>

<pallas_src>
import functools

import jax
import jax.numpy as jnp
from jax import lax
from jax.experimental import pallas as pl
from jax.experimental.pallas import tpu as pltpu
from jax.experimental.pallas import tpu_sc as plsc

_EPS = 1e-06
_N_BINS = 64
_ROWS = 8192
_COLS = 512

_NC = 2
_NS = 16
_NW = _NC * _NS
_LANES = 16

_ROWS_W = _ROWS // _NW
_CROWS = 32
_NCHUNK = _ROWS_W // _CROWS

_LO = float(_EPS)
_HI = float(1.0 - _EPS)
_SCALE = float(_N_BINS)


def _sc_body(x_hbm, out_hbm, in0, in1, ot0, ot1, si0, si1, so0, so1):
    wid = lax.axis_index("s") * _NC + lax.axis_index("c")
    base = wid * _ROWS_W
    inbufs = (in0, in1)
    outbufs = (ot0, ot1)
    sin = (si0, si1)
    sout = (so0, so1)

    def start_in(ci, b):
        r0 = base + ci * _CROWS
        return pltpu.async_copy(x_hbm.at[pl.ds(r0, _CROWS)], inbufs[b], sin[b])

    def start_out(ci, b):
        r0 = base + ci * _CROWS
        return pltpu.async_copy(outbufs[b], out_hbm.at[pl.ds(r0, _CROWS)], sout[b])

    def compute(src, dst):
        @plsc.parallel_loop(0, _CROWS, step=1)
        def row_body(r):
            @plsc.parallel_loop(0, _COLS, step=_LANES, unroll=8)
            def col_body(c):
                v = src[r, pl.ds(c, _LANES)]
                v = jnp.minimum(jnp.maximum(v, _LO), _HI) * _SCALE
                dst[r, pl.ds(c, _LANES)] = v.astype(jnp.int32)

    h_in = [start_in(0, 0), start_in(1, 1)]
    h_out = [None, None]
    for ci in range(_NCHUNK):
        b = ci % 2
        h_in[b].wait()
        if ci >= 2:
            h_out[b].wait()
        compute(inbufs[b], outbufs[b])
        h_out[b] = start_out(ci, b)
        if ci + 2 < _NCHUNK:
            h_in[b] = start_in(ci + 2, b)
    h_out[0].wait()
    h_out[1].wait()


_mesh = plsc.VectorSubcoreMesh(core_axis_name="c", subcore_axis_name="s")

_tokenize = functools.partial(
    pl.kernel,
    out_type=jax.ShapeDtypeStruct((_ROWS, _COLS), jnp.int32),
    mesh=_mesh,
    scratch_types=[
        pltpu.VMEM((_CROWS, _COLS), jnp.float32),
        pltpu.VMEM((_CROWS, _COLS), jnp.float32),
        pltpu.VMEM((_CROWS, _COLS), jnp.int32),
        pltpu.VMEM((_CROWS, _COLS), jnp.int32),
        pltpu.SemaphoreType.DMA,
        pltpu.SemaphoreType.DMA,
        pltpu.SemaphoreType.DMA,
        pltpu.SemaphoreType.DMA,
    ],
)(_sc_body)


@jax.jit
def kernel(inputs):
    return _tokenize(inputs)

# --- scband reference (transcript-rebuilt; emitter-appended) ---
"""Pipeline reference for scband-bin-tokenizer-90812788507001 (READ-ONLY COPY).

The authoritative reference and input builder live on the scoring server;
editing this copy changes nothing except your own understanding.
"""

import jax, jax.numpy as jnp
import numpy as np

EPS = 1e-06
N_BINS = 64
LOW = 0.0
HIGH = 1.0


def setup_inputs(seed: int = 0) -> dict:
    key = jax.random.key(seed)
    inputs = jax.random.uniform(key, (8192, 512), dtype=jnp.float32)
    return {"inputs": inputs}


def reference(inputs):
    # thresholds for uniform binning: linspace(low, high, n_bins + 1)
    thresholds = jnp.linspace(LOW, HIGH, N_BINS + 1).astype(jnp.float32)
    # uniform bin_type clips inputs into (low + EPS, high - EPS)
    x = jnp.clip(inputs, LOW + EPS, HIGH - EPS)
    x = x[..., None]
    # dimension-wise one-hot membership test against bin edges
    token_one_hot = ((x < thresholds[1:]) & (x >= thresholds[:-1])).astype(jnp.uint8)
    output_tokens = jnp.argmax(token_one_hot, axis=-1)
    return output_tokens

if __name__ == "__main__":
    import jax
    _d = setup_inputs()
    print(jax.jit(kernel)(*tuple(_d.values())))

</pallas_src>

<mosaic_0001>
#map = affine_map<(d0, d1) -> (0, 0)>
module attributes {stable_mosaic.version = 14 : i64} {
  func.func @_sc_body(%arg0: i32, %arg1: i32, %arg2: memref<8192x512xf32, #tpu.memory_space<hbm>>, %arg3: memref<8192x512xi32, #tpu.memory_space<hbm>>, %arg4: memref<32x512xf32, #tpu.memory_space<vmem>>, %arg5: memref<32x512xf32, #tpu.memory_space<vmem>>, %arg6: memref<32x512xi32, #tpu.memory_space<vmem>>, %arg7: memref<32x512xi32, #tpu.memory_space<vmem>>, %arg8: memref<!tpu.dma_semaphore, #tpu.memory_space<semaphore_mem>>, %arg9: memref<!tpu.dma_semaphore, #tpu.memory_space<semaphore_mem>>, %arg10: memref<!tpu.dma_semaphore, #tpu.memory_space<semaphore_mem>>, %arg11: memref<!tpu.dma_semaphore, #tpu.memory_space<semaphore_mem>>) attributes {dimension_semantics = [#tpu.dimension_semantics<core_parallel>, #tpu.dimension_semantics<subcore_parallel>], iteration_bounds = array<i64: 2, 16>, scalar_prefetch = 0 : i64, scratch_operands = 8 : i64, tpu.core_type = #tpu.core_type<sc_vector_subcore>, window_params = [{transform_indices = #map}, {transform_indices = #map}]} {
    %mul3A = arith.constant 2 : i32
    %mul3A_0 = arith.muli %arg1, %mul3A : i32
    %add3A = arith.addi %mul3A_0, %arg0 : i32
    %mul3A_1 = arith.constant 256 : i32
    %mul3A_2 = arith.muli %add3A, %mul3A_1 : i32
    %add3A_3 = arith.constant 0 : i32
    %add3A_4 = arith.addi %mul3A_2, %add3A_3 : i32
    %dma_start3A = arith.constant 0 : i32
    %dma_start3A_5 = tpu.memref_slice %arg2[%add3A_4, %dma_start3A] : memref<8192x512xf32, #tpu.memory_space<hbm>> -> memref<32x512xf32, #tpu.memory_space<hbm>>
    %dma_start3A_6 = arith.constant 0 : i32
    %dma_start3A_7 = tpu.memref_slice %arg2[%add3A_4, %dma_start3A_6] : memref<8192x512xf32, #tpu.memory_space<hbm>> -> memref<32x512xf32, #tpu.memory_space<hbm>>
    tpu.enqueue_dma source(%dma_start3A_7 : memref<32x512xf32, #tpu.memory_space<hbm>>) target(%arg4 : memref<32x512xf32, #tpu.memory_space<vmem>>) target_semaphore(%arg8 : memref<!tpu.dma_semaphore, #tpu.memory_space<semaphore_mem>>)
    %add3A_8 = arith.constant 32 : i32
    %add3A_9 = arith.addi %mul3A_2, %add3A_8 : i32
    %dma_start3A_10 = arith.constant 0 : i32
    %dma_start3A_11 = tpu.memref_slice %arg2[%add3A_9, %dma_start3A_10] : memref<8192x512xf32, #tpu.memory_space<hbm>> -> memref<32x512xf32, #tpu.memory_space<hbm>>
    %dma_start3A_12 = arith.constant 0 : i32
    %dma_start3A_13 = tpu.memref_slice %arg2[%add3A_9, %dma_start3A_12] : memref<8192x512xf32, #tpu.memory_space<hbm>> -> memref<32x512xf32, #tpu.memory_space<hbm>>
    tpu.enqueue_dma source(%dma_start3A_13 : memref<32x512xf32, #tpu.memory_space<hbm>>) target(%arg5 : memref<32x512xf32, #tpu.memory_space<vmem>>) target_semaphore(%arg9 : memref<!tpu.dma_semaphore, #tpu.memory_space<semaphore_mem>>)
    %dma_wait3A = arith.constant 0 : i32
    %dma_wait3A_14 = tpu.memref_slice %arg2[%add3A_4, %dma_wait3A] : memref<8192x512xf32, #tpu.memory_space<hbm>> -> memref<32x512xf32, #tpu.memory_space<hbm>>
    %dma_wait3A_15 = arith.constant 0 : i32
    %dma_wait3A_16 = tpu.memref_slice %arg2[%add3A_4, %dma_wait3A_15] : memref<8192x512xf32, #tpu.memory_space<hbm>> -> memref<32x512xf32, #tpu.memory_space<hbm>>
    tpu.wait_dma2 semaphore(%arg8 : memref<!tpu.dma_semaphore, #tpu.memory_space<semaphore_mem>>) src(%dma_wait3A_16 : memref<32x512xf32, #tpu.memory_space<hbm>>) dst(%arg4 : memref<32x512xf32, #tpu.memory_space<vmem>>)
    %parallel_loop3A = arith.constant 0 : i32
    %parallel_loop3A_17 = arith.constant 32 : i32
    %parallel_loop3A_18 = arith.constant 1 : i32
    scf.for %parallel_loop3A_184 = %parallel_loop3A to %parallel_loop3A_17 step %parallel_loop3A_18  : i32 {
      %parallel_loop3A_185 = arith.constant 0 : i32
      %parallel_loop3A_186 = arith.constant 512 : i32
      %parallel_loop3A_187 = arith.constant 16 : i32
      scf.for %parallel_loop3A_188 = %parallel_loop3A_185 to %parallel_loop3A_186 step %parallel_loop3A_187  : i32 {
        %parallel_loop3A_189 = arith.index_cast %parallel_loop3A_184 : i32 to index
        %parallel_loop3A_190 = arith.index_cast %parallel_loop3A_188 : i32 to index
        %parallel_loop3A_191 = tpu.vector_load %arg4[%parallel_loop3A_189, %parallel_loop3A_190] {strides = array<i32>} : memref<32x512xf32, #tpu.memory_space<vmem>>, vector<1x16xf32>,
        %parallel_loop3A_192 = vector.shape_cast %parallel_loop3A_191 : vector<1x16xf32> to vector<16xf32>
        %parallel_loop3A_193 = arith.constant 9.99999997E-7 : f32
        %parallel_loop3A_194 = vector.broadcast %parallel_loop3A_193 : f32 to vector<16xf32>
        %parallel_loop3A_195 = arith.maximumf %parallel_loop3A_192, %parallel_loop3A_194 : vector<16xf32>
        %parallel_loop3A_196 = arith.constant 0.999998986 : f32
        %parallel_loop3A_197 = vector.broadcast %parallel_loop3A_196 : f32 to vector<16xf32>
        %parallel_loop3A_198 = arith.minimumf %parallel_loop3A_195, %parallel_loop3A_197 : vector<16xf32>
        %parallel_loop3A_199 = arith.constant 6.400000e+01 : f32
        %parallel_loop3A_200 = vector.broadcast %parallel_loop3A_199 : f32 to vector<16xf32>
        %parallel_loop3A_201 = arith.mulf %parallel_loop3A_198, %parallel_loop3A_200 : vector<16xf32>
        %parallel_loop3A_202 = arith.fptosi %parallel_loop3A_201 : vector<16xf32> to vector<16xi32>
        %parallel_loop3A_203 = arith.index_cast %parallel_loop3A_184 : i32 to index
        %parallel_loop3A_204 = arith.index_cast %parallel_loop3A_188 : i32 to index
        %parallel_loop3A_205 = tpu.vector_load %arg6[%parallel_loop3A_203, %parallel_loop3A_204] {strides = array<i32>} : memref<32x512xi32, #tpu.memory_space<vmem>>, vector<1x16xi32>,
        %parallel_loop3A_206 = vector.shape_cast %parallel_loop3A_205 : vector<1x16xi32> to vector<16xi32>
        %parallel_loop3A_207 = vector.shape_cast %parallel_loop3A_202 : vector<16xi32> to vector<1x16xi32>
        tpu.vector_store %arg6[%parallel_loop3A_203, %parallel_loop3A_204], %parallel_loop3A_207 {strides = array<i32>} : memref<32x512xi32, #tpu.memory_space<vmem>>, vector<1x16xi32>,
      } {sc.loop_unroll_factor = 8 : i64, sc.parallel_access}
    } {sc.loop_unroll_factor = 1 : i64, sc.parallel_access}
    %add3A_19 = arith.constant 0 : i32
    %add3A_20 = arith.addi %mul3A_2, %add3A_19 : i32
    %dma_start3A_21 = arith.constant 0 : i32
    %dma_start3A_22 = tpu.memref_slice %arg3[%add3A_20, %dma_start3A_21] : memref<8192x512xi32, #tpu.memory_space<hbm>> -> memref<32x512xi32, #tpu.memory_space<hbm>>
    %dma_start3A_23 = arith.constant 0 : i32
    %dma_start3A_24 = tpu.memref_slice %arg3[%add3A_20, %dma_start3A_23] : memref<8192x512xi32, #tpu.memory_space<hbm>> -> memref<32x512xi32, #tpu.memory_space<hbm>>
    tpu.enqueue_dma source(%arg6 : memref<32x512xi32, #tpu.memory_space<vmem>>) target(%dma_start3A_24 : memref<32x512xi32, #tpu.memory_space<hbm>>) target_semaphore(%arg10 : memref<!tpu.dma_semaphore, #tpu.memory_space<semaphore_mem>>)
    %add3A_25 = arith.constant 64 : i32
    %add3A_26 = arith.addi %mul3A_2, %add3A_25 : i32
    %dma_start3A_27 = arith.constant 0 : i32
    %dma_start3A_28 = tpu.memref_slice %arg2[%add3A_26, %dma_start3A_27] : memref<8192x512xf32, #tpu.memory_space<hbm>> -> memref<32x512xf32, #tpu.memory_space<hbm>>
    %dma_start3A_29 = arith.constant 0 : i32
    %dma_start3A_30 = tpu.memref_slice %arg2[%add3A_26, %dma_start3A_29] : memref<8192x512xf32, #tpu.memory_space<hbm>> -> memref<32x512xf32, #tpu.memory_space<hbm>>
    tpu.enqueue_dma source(%dma_start3A_30 : memref<32x512xf32, #tpu.memory_space<hbm>>) target(%arg4 : memref<32x512xf32, #tpu.memory_space<vmem>>) target_semaphore(%arg8 : memref<!tpu.dma_semaphore, #tpu.memory_space<semaphore_mem>>)
    %dma_wait3A_31 = arith.constant 0 : i32
    %dma_wait3A_32 = tpu.memref_slice %arg2[%add3A_9, %dma_wait3A_31] : memref<8192x512xf32, #tpu.memory_space<hbm>> -> memref<32x512xf32, #tpu.memory_space<hbm>>
    %dma_wait3A_33 = arith.constant 0 : i32
    %dma_wait3A_34 = tpu.memref_slice %arg2[%add3A_9, %dma_wait3A_33] : memref<8192x512xf32, #tpu.memory_space<hbm>> -> memref<32x512xf32, #tpu.memory_space<hbm>>
    tpu.wait_dma2 semaphore(%arg9 : memref<!tpu.dma_semaphore, #tpu.memory_space<semaphore_mem>>) src(%dma_wait3A_34 : memref<32x512xf32, #tpu.memory_space<hbm>>) dst(%arg5 : memref<32x512xf32, #tpu.memory_space<vmem>>)
    %parallel_loop3A_35 = arith.constant 0 : i32
    %parallel_loop3A_36 = arith.constant 32 : i32
    %parallel_loop3A_37 = arith.constant 1 : i32
    scf.for %parallel_loop3A_184 = %parallel_loop3A_35 to %parallel_loop3A_36 step %parallel_loop3A_37  : i32 {
      %parallel_loop3A_185 = arith.constant 0 : i32
      %parallel_loop3A_186 = arith.constant 512 : i32
      %parallel_loop3A_187 = arith.constant 16 : i32
      scf.for %parallel_loop3A_188 = %parallel_loop3A_185 to %parallel_loop3A_186 step %parallel_loop3A_187  : i32 {
        %parallel_loop3A_189 = arith.index_cast %parallel_loop3A_184 : i32 to index
        %parallel_loop3A_190 = arith.index_cast %parallel_loop3A_188 : i32 to index
        %parallel_loop3A_191 = tpu.vector_load %arg5[%parallel_loop3A_189, %parallel_loop3A_190] {strides = array<i32>} : memref<32x512xf32, #tpu.memory_space<vmem>>, vector<1x16xf32>,
        %parallel_loop3A_192 = vector.shape_cast %parallel_loop3A_191 : vector<1x16xf32> to vector<16xf32>
        %parallel_loop3A_193 = arith.constant 9.99999997E-7 : f32
        %parallel_loop3A_194 = vector.broadcast %parallel_loop3A_193 : f32 to vector<16xf32>
        %parallel_loop3A_195 = arith.maximumf %parallel_loop3A_192, %parallel_loop3A_194 : vector<16xf32>
        %parallel_loop3A_196 = arith.constant 0.999998986 : f32
        %parallel_loop3A_197 = vector.broadcast %parallel_loop3A_196 : f32 to vector<16xf32>
        %parallel_loop3A_198 = arith.minimumf %parallel_loop3A_195, %parallel_loop3A_197 : vector<16xf32>
        %parallel_loop3A_199 = arith.constant 6.400000e+01 : f32
        %parallel_loop3A_200 = vector.broadcast %parallel_loop3A_199 : f32 to vector<16xf32>
        %parallel_loop3A_201 = arith.mulf %parallel_loop3A_198, %parallel_loop3A_200 : vector<16xf32>
        %parallel_loop3A_202 = arith.fptosi %parallel_loop3A_201 : vector<16xf32> to vector<16xi32>
        %parallel_loop3A_203 = arith.index_cast %parallel_loop3A_184 : i32 to index
        %parallel_loop3A_204 = arith.index_cast %parallel_loop3A_188 : i32 to index
        %parallel_loop3A_205 = tpu.vector_load %arg7[%parallel_loop3A_203, %parallel_loop3A_204] {strides = array<i32>} : memref<32x512xi32, #tpu.memory_space<vmem>>, vector<1x16xi32>,
        %parallel_loop3A_206 = vector.shape_cast %parallel_loop3A_205 : vector<1x16xi32> to vector<16xi32>
        %parallel_loop3A_207 = vector.shape_cast %parallel_loop3A_202 : vector<16xi32> to vector<1x16xi32>
        tpu.vector_store %arg7[%parallel_loop3A_203, %parallel_loop3A_204], %parallel_loop3A_207 {strides = array<i32>} : memref<32x512xi32, #tpu.memory_space<vmem>>, vector<1x16xi32>,
      } {sc.loop_unroll_factor = 8 : i64, sc.parallel_access}
    } {sc.loop_unroll_factor = 1 : i64, sc.parallel_access}
    %add3A_38 = arith.constant 32 : i32
    %add3A_39 = arith.addi %mul3A_2, %add3A_38 : i32
    %dma_start3A_40 = arith.constant 0 : i32
    %dma_start3A_41 = tpu.memref_slice %arg3[%add3A_39, %dma_start3A_40] : memref<8192x512xi32, #tpu.memory_space<hbm>> -> memref<32x512xi32, #tpu.memory_space<hbm>>
    %dma_start3A_42 = arith.constant 0 : i32
    %dma_start3A_43 = tpu.memref_slice %arg3[%add3A_39, %dma_start3A_42] : memref<8192x512xi32, #tpu.memory_space<hbm>> -> memref<32x512xi32, #tpu.memory_space<hbm>>
    tpu.enqueue_dma source(%arg7 : memref<32x512xi32, #tpu.memory_space<vmem>>) target(%dma_start3A_43 : memref<32x512xi32, #tpu.memory_space<hbm>>) target_semaphore(%arg11 : memref<!tpu.dma_semaphore, #tpu.memory_space<semaphore_mem>>)
    %add3A_44 = arith.constant 96 : i32
    %add3A_45 = arith.addi %mul3A_2, %add3A_44 : i32
    %dma_start3A_46 = arith.constant 0 : i32
    %dma_start3A_47 = tpu.memref_slice %arg2[%add3A_45, %dma_start3A_46] : memref<8192x512xf32, #tpu.memory_space<hbm>> -> memref<32x512xf32, #tpu.memory_space<hbm>>
    %dma_start3A_48 = arith.constant 0 : i32
    %dma_start3A_49 = tpu.memref_slice %arg2[%add3A_45, %dma_start3A_48] : memref<8192x512xf32, #tpu.memory_space<hbm>> -> memref<32x512xf32, #tpu.memory_space<hbm>>
    tpu.enqueue_dma source(%dma_start3A_49 : memref<32x512xf32, #tpu.memory_space<hbm>>) target(%arg5 : memref<32x512xf32, #tpu.memory_space<vmem>>) target_semaphore(%arg9 : memref<!tpu.dma_semaphore, #tpu.memory_space<semaphore_mem>>)
    %dma_wait3A_50 = arith.constant 0 : i32
    %dma_wait3A_51 = tpu.memref_slice %arg2[%add3A_26, %dma_wait3A_50] : memref<8192x512xf32, #tpu.memory_space<hbm>> -> memref<32x512xf32, #tpu.memory_space<hbm>>
    %dma_wait3A_52 = arith.constant 0 : i32
    %dma_wait3A_53 = tpu.memref_slice %arg2[%add3A_26, %dma_wait3A_52] : memref<8192x512xf32, #tpu.memory_space<hbm>> -> memref<32x512xf32, #tpu.memory_space<hbm>>
    tpu.wait_dma2 semaphore(%arg8 : memref<!tpu.dma_semaphore, #tpu.memory_space<semaphore_mem>>) src(%dma_wait3A_53 : memref<32x512xf32, #tpu.memory_space<hbm>>) dst(%arg4 : memref<32x512xf32, #tpu.memory_space<vmem>>)
    %dma_wait3A_54 = arith.constant 0 : i32
    %dma_wait3A_55 = tpu.memref_slice %arg3[%add3A_20, %dma_wait3A_54] : memref<8192x512xi32, #tpu.memory_space<hbm>> -> memref<32x512xi32, #tpu.memory_space<hbm>>
    %dma_wait3A_56 = arith.constant 0 : i32
    %dma_wait3A_57 = tpu.memref_slice %arg3[%add3A_20, %dma_wait3A_56] : memref<8192x512xi32, #tpu.memory_space<hbm>> -> memref<32x512xi32, #tpu.memory_space<hbm>>
    tpu.wait_dma2 semaphore(%arg10 : memref<!tpu.dma_semaphore, #tpu.memory_space<semaphore_mem>>) src(%arg6 : memref<32x512xi32, #tpu.memory_space<vmem>>) dst(%dma_wait3A_57 : memref<32x512xi32, #tpu.memory_space<hbm>>)
    %parallel_loop3A_58 = arith.constant 0 : i32
    %parallel_loop3A_59 = arith.constant 32 : i32
    %parallel_loop3A_60 = arith.constant 1 : i32
    scf.for %parallel_loop3A_184 = %parallel_loop3A_58 to %parallel_loop3A_59 step %parallel_loop3A_60  : i32 {
      %parallel_loop3A_185 = arith.constant 0 : i32
      %parallel_loop3A_186 = arith.constant 512 : i32
      %parallel_loop3A_187 = arith.constant 16 : i32
      scf.for %parallel_loop3A_188 = %parallel_loop3A_185 to %parallel_loop3A_186 step %parallel_loop3A_187  : i32 {
        %parallel_loop3A_189 = arith.index_cast %parallel_loop3A_184 : i32 to index
        %parallel_loop3A_190 = arith.index_cast %parallel_loop3A_188 : i32 to index
        %parallel_loop3A_191 = tpu.vector_load %arg4[%parallel_loop3A_189, %parallel_loop3A_190] {strides = array<i32>} : memref<32x512xf32, #tpu.memory_space<vmem>>, vector<1x16xf32>,
        %parallel_loop3A_192 = vector.shape_cast %parallel_loop3A_191 : vector<1x16xf32> to vector<16xf32>
        %parallel_loop3A_193 = arith.constant 9.99999997E-7 : f32
        %parallel_loop3A_194 = vector.broadcast %parallel_loop3A_193 : f32 to vector<16xf32>
        %parallel_loop3A_195 = arith.maximumf %parallel_loop3A_192, %parallel_loop3A_194 : vector<16xf32>
        %parallel_loop3A_196 = arith.constant 0.999998986 : f32
        %parallel_loop3A_197 = vector.broadcast %parallel_loop3A_196 : f32 to vector<16xf32>
        %parallel_loop3A_198 = arith.minimumf %parallel_loop3A_195, %parallel_loop3A_197 : vector<16xf32>
        %parallel_loop3A_199 = arith.constant 6.400000e+01 : f32
        %parallel_loop3A_200 = vector.broadcast %parallel_loop3A_199 : f32 to vector<16xf32>
        %parallel_loop3A_201 = arith.mulf %parallel_loop3A_198, %parallel_loop3A_200 : vector<16xf32>
        %parallel_loop3A_202 = arith.fptosi %parallel_loop3A_201 : vector<16xf32> to vector<16xi32>
        %parallel_loop3A_203 = arith.index_cast %parallel_loop3A_184 : i32 to index
        %parallel_loop3A_204 = arith.index_cast %parallel_loop3A_188 : i32 to index
        %parallel_loop3A_205 = tpu.vector_load %arg6[%parallel_loop3A_203, %parallel_loop3A_204] {strides = array<i32>} : memref<32x512xi32, #tpu.memory_space<vmem>>, vector<1x16xi32>,
        %parallel_loop3A_206 = vector.shape_cast %parallel_loop3A_205 : vector<1x16xi32> to vector<16xi32>
        %parallel_loop3A_207 = vector.shape_cast %parallel_loop3A_202 : vector<16xi32> to vector<1x16xi32>
        tpu.vector_store %arg6[%parallel_loop3A_203, %parallel_loop3A_204], %parallel_loop3A_207 {strides = array<i32>} : memref<32x512xi32, #tpu.memory_space<vmem>>, vector<1x16xi32>,
      } {sc.loop_unroll_factor = 8 : i64, sc.parallel_access}
    } {sc.loop_unroll_factor = 1 : i64, sc.parallel_access}
    %add3A_61 = arith.constant 64 : i32
    %add3A_62 = arith.addi %mul3A_2, %add3A_61 : i32
    %dma_start3A_63 = arith.constant 0 : i32
    %dma_start3A_64 = tpu.memref_slice %arg3[%add3A_62, %dma_start3A_63] : memref<8192x512xi32, #tpu.memory_space<hbm>> -> memref<32x512xi32, #tpu.memory_space<hbm>>
    %dma_start3A_65 = arith.constant 0 : i32
    %dma_start3A_66 = tpu.memref_slice %arg3[%add3A_62, %dma_start3A_65] : memref<8192x512xi32, #tpu.memory_space<hbm>> -> memref<32x512xi32, #tpu.memory_space<hbm>>
    tpu.enqueue_dma source(%arg6 : memref<32x512xi32, #tpu.memory_space<vmem>>) target(%dma_start3A_66 : memref<32x512xi32, #tpu.memory_space<hbm>>) target_semaphore(%arg10 : memref<!tpu.dma_semaphore, #tpu.memory_space<semaphore_mem>>)
    %add3A_67 = arith.constant 128 : i32
    %add3A_68 = arith.addi %mul3A_2, %add3A_67 : i32
    %dma_start3A_69 = arith.constant 0 : i32
    %dma_start3A_70 = tpu.memref_slice %arg2[%add3A_68, %dma_start3A_69] : memref<8192x512xf32, #tpu.memory_space<hbm>> -> memref<32x512xf32, #tpu.memory_space<hbm>>
    %dma_start3A_71 = arith.constant 0 : i32
    %dma_start3A_72 = tpu.memref_slice %arg2[%add3A_68, %dma_start3A_71] : memref<8192x512xf32, #tpu.memory_space<hbm>> -> memref<32x512xf32, #tpu.memory_space<hbm>>
    tpu.enqueue_dma source(%dma_start3A_72 : memref<32x512xf32, #tpu.memory_space<hbm>>) target(%arg4 : memref<32x512xf32, #tpu.memory_space<vmem>>) target_semaphore(%arg8 : memref<!tpu.dma_semaphore, #tpu.memory_space<semaphore_mem>>)
    %dma_wait3A_73 = arith.constant 0 : i32
    %dma_wait3A_74 = tpu.memref_slice %arg2[%add3A_45, %dma_wait3A_73] : memref<8192x512xf32, #tpu.memory_space<hbm>> -> memref<32x512xf32, #tpu.memory_space<hbm>>
    %dma_wait3A_75 = arith.constant 0 : i32
    %dma_wait3A_76 = tpu.memref_slice %arg2[%add3A_45, %dma_wait3A_75] : memref<8192x512xf32, #tpu.memory_space<hbm>> -> memref<32x512xf32, #tpu.memory_space<hbm>>
    tpu.wait_dma2 semaphore(%arg9 : memref<!tpu.dma_semaphore, #tpu.memory_space<semaphore_mem>>) src(%dma_wait3A_76 : memref<32x512xf32, #tpu.memory_space<hbm>>) dst(%arg5 : memref<32x512xf32, #tpu.memory_space<vmem>>)
    %dma_wait3A_77 = arith.constant 0 : i32
    %dma_wait3A_78 = tpu.memref_slice %arg3[%add3A_39, %dma_wait3A_77] : memref<8192x512xi32, #tpu.memory_space<hbm>> -> memref<32x512xi32, #tpu.memory_space<hbm>>
    %dma_wait3A_79 = arith.constant 0 : i32
    %dma_wait3A_80 = tpu.memref_slice %arg3[%add3A_39, %dma_wait3A_79] : memref<8192x512xi32, #tpu.memory_space<hbm>> -> memref<32x512xi32, #tpu.memory_space<hbm>>
    tpu.wait_dma2 semaphore(%arg11 : memref<!tpu.dma_semaphore, #tpu.memory_space<semaphore_mem>>) src(%arg7 : memref<32x512xi32, #tpu.memory_space<vmem>>) dst(%dma_wait3A_80 : memref<32x512xi32, #tpu.memory_space<hbm>>)
    %parallel_loop3A_81 = arith.constant 0 : i32
    %parallel_loop3A_82 = arith.constant 32 : i32
    %parallel_loop3A_83 = arith.constant 1 : i32
    scf.for %parallel_loop3A_184 = %parallel_loop3A_81 to %parallel_loop3A_82 step %parallel_loop3A_83  : i32 {
      %parallel_loop3A_185 = arith.constant 0 : i32
      %parallel_loop3A_186 = arith.constant 512 : i32
      %parallel_loop3A_187 = arith.constant 16 : i32
      scf.for %parallel_loop3A_188 = %parallel_loop3A_185 to %parallel_loop3A_186 step %parallel_loop3A_187  : i32 {
        %parallel_loop3A_189 = arith.index_cast %parallel_loop3A_184 : i32 to index
        %parallel_loop3A_190 = arith.index_cast %parallel_loop3A_188 : i32 to index
        %parallel_loop3A_191 = tpu.vector_load %arg5[%parallel_loop3A_189, %parallel_loop3A_190] {strides = array<i32>} : memref<32x512xf32, #tpu.memory_space<vmem>>, vector<1x16xf32>,
        %parallel_loop3A_192 = vector.shape_cast %parallel_loop3A_191 : vector<1x16xf32> to vector<16xf32>
        %parallel_loop3A_193 = arith.constant 9.99999997E-7 : f32
        %parallel_loop3A_194 = vector.broadcast %parallel_loop3A_193 : f32 to vector<16xf32>
        %parallel_loop3A_195 = arith.maximumf %parallel_loop3A_192, %parallel_loop3A_194 : vector<16xf32>
        %parallel_loop3A_196 = arith.constant 0.999998986 : f32
        %parallel_loop3A_197 = vector.broadcast %parallel_loop3A_196 : f32 to vector<16xf32>
        %parallel_loop3A_198 = arith.minimumf %parallel_loop3A_195, %parallel_loop3A_197 : vector<16xf32>
        %parallel_loop3A_199 = arith.constant 6.400000e+01 : f32
        %parallel_loop3A_200 = vector.broadcast %parallel_loop3A_199 : f32 to vector<16xf32>
        %parallel_loop3A_201 = arith.mulf %parallel_loop3A_198, %parallel_loop3A_200 : vector<16xf32>
        %parallel_loop3A_202 = arith.fptosi %parallel_loop3A_201 : vector<16xf32> to vector<16xi32>
        %parallel_loop3A_203 = arith.index_cast %parallel_loop3A_184 : i32 to index
        %parallel_loop3A_204 = arith.index_cast %parallel_loop3A_188 : i32 to index
        %parallel_loop3A_205 = tpu.vector_load %arg7[%parallel_loop3A_203, %parallel_loop3A_204] {strides = array<i32>} : memref<32x512xi32, #tpu.memory_space<vmem>>, vector<1x16xi32>,
        %parallel_loop3A_206 = vector.shape_cast %parallel_loop3A_205 : vector<1x16xi32> to vector<16xi32>
        %parallel_loop3A_207 = vector.shape_cast %parallel_loop3A_202 : vector<16xi32> to vector<1x16xi32>
        tpu.vector_store %arg7[%parallel_loop3A_203, %parallel_loop3A_204], %parallel_loop3A_207 {strides = array<i32>} : memref<32x512xi32, #tpu.memory_space<vmem>>, vector<1x16xi32>,
      } {sc.loop_unroll_factor = 8 : i64, sc.parallel_access}
    } {sc.loop_unroll_factor = 1 : i64, sc.parallel_access}
    %add3A_84 = arith.constant 96 : i32
    %add3A_85 = arith.addi %mul3A_2, %add3A_84 : i32
    %dma_start3A_86 = arith.constant 0 : i32
    %dma_start3A_87 = tpu.memref_slice %arg3[%add3A_85, %dma_start3A_86] : memref<8192x512xi32, #tpu.memory_space<hbm>> -> memref<32x512xi32, #tpu.memory_space<hbm>>
    %dma_start3A_88 = arith.constant 0 : i32
    %dma_start3A_89 = tpu.memref_slice %arg3[%add3A_85, %dma_start3A_88] : memref<8192x512xi32, #tpu.memory_space<hbm>> -> memref<32x512xi32, #tpu.memory_space<hbm>>
    tpu.enqueue_dma source(%arg7 : memref<32x512xi32, #tpu.memory_space<vmem>>) target(%dma_start3A_89 : memref<32x512xi32, #tpu.memory_space<hbm>>) target_semaphore(%arg11 : memref<!tpu.dma_semaphore, #tpu.memory_space<semaphore_mem>>)
    %add3A_90 = arith.constant 160 : i32
    %add3A_91 = arith.addi %mul3A_2, %add3A_90 : i32
    %dma_start3A_92 = arith.constant 0 : i32
    %dma_start3A_93 = tpu.memref_slice %arg2[%add3A_91, %dma_start3A_92] : memref<8192x512xf32, #tpu.memory_space<hbm>> -> memref<32x512xf32, #tpu.memory_space<hbm>>
    %dma_start3A_94 = arith.constant 0 : i32
    %dma_start3A_95 = tpu.memref_slice %arg2[%add3A_91, %dma_start3A_94] : memref<8192x512xf32, #tpu.memory_space<hbm>> -> memref<32x512xf32, #tpu.memory_space<hbm>>
    tpu.enqueue_dma source(%dma_start3A_95 : memref<32x512xf32, #tpu.memory_space<hbm>>) target(%arg5 : memref<32x512xf32, #tpu.memory_space<vmem>>) target_semaphore(%arg9 : memref<!tpu.dma_semaphore, #tpu.memory_space<semaphore_mem>>)
    %dma_wait3A_96 = arith.constant 0 : i32
    %dma_wait3A_97 = tpu.memref_slice %arg2[%add3A_68, %dma_wait3A_96] : memref<8192x512xf32, #tpu.memory_space<hbm>> -> memref<32x512xf32, #tpu.memory_space<hbm>>
    %dma_wait3A_98 = arith.constant 0 : i32
    %dma_wait3A_99 = tpu.memref_slice %arg2[%add3A_68, %dma_wait3A_98] : memref<8192x512xf32, #tpu.memory_space<hbm>> -> memref<32x512xf32, #tpu.memory_space<hbm>>
    tpu.wait_dma2 semaphore(%arg8 : memref<!tpu.dma_semaphore, #tpu.memory_space<semaphore_mem>>) src(%dma_wait3A_99 : memref<32x512xf32, #tpu.memory_space<hbm>>) dst(%arg4 : memref<32x512xf32, #tpu.memory_space<vmem>>)
    %dma_wait3A_100 = arith.constant 0 : i32
    %dma_wait3A_101 = tpu.memref_slice %arg3[%add3A_62, %dma_wait3A_100] : memref<8192x512xi32, #tpu.memory_space<hbm>> -> memref<32x512xi32, #tpu.memory_space<hbm>>
    %dma_wait3A_102 = arith.constant 0 : i32
    %dma_wait3A_103 = tpu.memref_slice %arg3[%add3A_62, %dma_wait3A_102] : memref<8192x512xi32, #tpu.memory_space<hbm>> -> memref<32x512xi32, #tpu.memory_space<hbm>>
    tpu.wait_dma2 semaphore(%arg10 : memref<!tpu.dma_semaphore, #tpu.memory_space<semaphore_mem>>) src(%arg6 : memref<32x512xi32, #tpu.memory_space<vmem>>) dst(%dma_wait3A_103 : memref<32x512xi32, #tpu.memory_space<hbm>>)
    %parallel_loop3A_104 = arith.constant 0 : i32
    %parallel_loop3A_105 = arith.constant 32 : i32
    %parallel_loop3A_106 = arith.constant 1 : i32
    scf.for %parallel_loop3A_184 = %parallel_loop3A_104 to %parallel_loop3A_105 step %parallel_loop3A_106  : i32 {
      %parallel_loop3A_185 = arith.constant 0 : i32
      %parallel_loop3A_186 = arith.constant 512 : i32
      %parallel_loop3A_187 = arith.constant 16 : i32
      scf.for %parallel_loop3A_188 = %parallel_loop3A_185 to %parallel_loop3A_186 step %parallel_loop3A_187  : i32 {
        %parallel_loop3A_189 = arith.index_cast %parallel_loop3A_184 : i32 to index
        %parallel_loop3A_190 = arith.index_cast %parallel_loop3A_188 : i32 to index
        %parallel_loop3A_191 = tpu.vector_load %arg4[%parallel_loop3A_189, %parallel_loop3A_190] {strides = array<i32>} : memref<32x512xf32, #tpu.memory_space<vmem>>, vector<1x16xf32>,
        %parallel_loop3A_192 = vector.shape_cast %parallel_loop3A_191 : vector<1x16xf32> to vector<16xf32>
        %parallel_loop3A_193 = arith.constant 9.99999997E-7 : f32
        %parallel_loop3A_194 = vector.broadcast %parallel_loop3A_193 : f32 to vector<16xf32>
        %parallel_loop3A_195 = arith.maximumf %parallel_loop3A_192, %parallel_loop3A_194 : vector<16xf32>
        %parallel_loop3A_196 = arith.constant 0.999998986 : f32
        %parallel_loop3A_197 = vector.broadcast %parallel_loop3A_196 : f32 to vector<16xf32>
        %parallel_loop3A_198 = arith.minimumf %parallel_loop3A_195, %parallel_loop3A_197 : vector<16xf32>
        %parallel_loop3A_199 = arith.constant 6.400000e+01 : f32
        %parallel_loop3A_200 = vector.broadcast %parallel_loop3A_199 : f32 to vector<16xf32>
        %parallel_loop3A_201 = arith.mulf %parallel_loop3A_198, %parallel_loop3A_200 : vector<16xf32>
        %parallel_loop3A_202 = arith.fptosi %parallel_loop3A_201 : vector<16xf32> to vector<16xi32>
        %parallel_loop3A_203 = arith.index_cast %parallel_loop3A_184 : i32 to index
        %parallel_loop3A_204 = arith.index_cast %parallel_loop3A_188 : i32 to index
        %parallel_loop3A_205 = tpu.vector_load %arg6[%parallel_loop3A_203, %parallel_loop3A_204] {strides = array<i32>} : memref<32x512xi32, #tpu.memory_space<vmem>>, vector<1x16xi32>,
        %parallel_loop3A_206 = vector.shape_cast %parallel_loop3A_205 : vector<1x16xi32> to vector<16xi32>
        %parallel_loop3A_207 = vector.shape_cast %parallel_loop3A_202 : vector<16xi32> to vector<1x16xi32>
        tpu.vector_store %arg6[%parallel_loop3A_203, %parallel_loop3A_204], %parallel_loop3A_207 {strides = array<i32>} : memref<32x512xi32, #tpu.memory_space<vmem>>, vector<1x16xi32>,
      } {sc.loop_unroll_factor = 8 : i64, sc.parallel_access}
    } {sc.loop_unroll_factor = 1 : i64, sc.parallel_access}
    %add3A_107 = arith.constant 128 : i32
    %add3A_108 = arith.addi %mul3A_2, %add3A_107 : i32
    %dma_start3A_109 = arith.constant 0 : i32
    %dma_start3A_110 = tpu.memref_slice %arg3[%add3A_108, %dma_start3A_109] : memref<8192x512xi32, #tpu.memory_space<hbm>> -> memref<32x512xi32, #tpu.memory_space<hbm>>
    %dma_start3A_111 = arith.constant 0 : i32
    %dma_start3A_112 = tpu.memref_slice %arg3[%add3A_108, %dma_start3A_111] : memref<8192x512xi32, #tpu.memory_space<hbm>> -> memref<32x512xi32, #tpu.memory_space<hbm>>
    tpu.enqueue_dma source(%arg6 : memref<32x512xi32, #tpu.memory_space<vmem>>) target(%dma_start3A_112 : memref<32x512xi32, #tpu.memory_space<hbm>>) target_semaphore(%arg10 : memref<!tpu.dma_semaphore, #tpu.memory_space<semaphore_mem>>)
    %add3A_113 = arith.constant 192 : i32
    %add3A_114 = arith.addi %mul3A_2, %add3A_113 : i32
    %dma_start3A_115 = arith.constant 0 : i32
    %dma_start3A_116 = tpu.memref_slice %arg2[%add3A_114, %dma_start3A_115] : memref<8192x512xf32, #tpu.memory_space<hbm>> -> memref<32x512xf32, #tpu.memory_space<hbm>>
    %dma_start3A_117 = arith.constant 0 : i32
    %dma_start3A_118 = tpu.memref_slice %arg2[%add3A_114, %dma_start3A_117] : memref<8192x512xf32, #tpu.memory_space<hbm>> -> memref<32x512xf32, #tpu.memory_space<hbm>>
    tpu.enqueue_dma source(%dma_start3A_118 : memref<32x512xf32, #tpu.memory_space<hbm>>) target(%arg4 : memref<32x512xf32, #tpu.memory_space<vmem>>) target_semaphore(%arg8 : memref<!tpu.dma_semaphore, #tpu.memory_space<semaphore_mem>>)
    %dma_wait3A_119 = arith.constant 0 : i32
    %dma_wait3A_120 = tpu.memref_slice %arg2[%add3A_91, %dma_wait3A_119] : memref<8192x512xf32, #tpu.memory_space<hbm>> -> memref<32x512xf32, #tpu.memory_space<hbm>>
    %dma_wait3A_121 = arith.constant 0 : i32
    %dma_wait3A_122 = tpu.memref_slice %arg2[%add3A_91, %dma_wait3A_121] : memref<8192x512xf32, #tpu.memory_space<hbm>> -> memref<32x512xf32, #tpu.memory_space<hbm>>
    tpu.wait_dma2 semaphore(%arg9 : memref<!tpu.dma_semaphore, #tpu.memory_space<semaphore_mem>>) src(%dma_wait3A_122 : memref<32x512xf32, #tpu.memory_space<hbm>>) dst(%arg5 : memref<32x512xf32, #tpu.memory_space<vmem>>)
    %dma_wait3A_123 = arith.constant 0 : i32
    %dma_wait3A_124 = tpu.memref_slice %arg3[%add3A_85, %dma_wait3A_123] : memref<8192x512xi32, #tpu.memory_space<hbm>> -> memref<32x512xi32, #tpu.memory_space<hbm>>
    %dma_wait3A_125 = arith.constant 0 : i32
    %dma_wait3A_126 = tpu.memref_slice %arg3[%add3A_85, %dma_wait3A_125] : memref<8192x512xi32, #tpu.memory_space<hbm>> -> memref<32x512xi32, #tpu.memory_space<hbm>>
    tpu.wait_dma2 semaphore(%arg11 : memref<!tpu.dma_semaphore, #tpu.memory_space<semaphore_mem>>) src(%arg7 : memref<32x512xi32, #tpu.memory_space<vmem>>) dst(%dma_wait3A_126 : memref<32x512xi32, #tpu.memory_space<hbm>>)
    %parallel_loop3A_127 = arith.constant 0 : i32
    %parallel_loop3A_128 = arith.constant 32 : i32
    %parallel_loop3A_129 = arith.constant 1 : i32
    scf.for %parallel_loop3A_184 = %parallel_loop3A_127 to %parallel_loop3A_128 step %parallel_loop3A_129  : i32 {
      %parallel_loop3A_185 = arith.constant 0 : i32
      %parallel_loop3A_186 = arith.constant 512 : i32
      %parallel_loop3A_187 = arith.constant 16 : i32
      scf.for %parallel_loop3A_188 = %parallel_loop3A_185 to %parallel_loop3A_186 step %parallel_loop3A_187  : i32 {
        %parallel_loop3A_189 = arith.index_cast %parallel_loop3A_184 : i32 to index
        %parallel_loop3A_190 = arith.index_cast %parallel_loop3A_188 : i32 to index
        %parallel_loop3A_191 = tpu.vector_load %arg5[%parallel_loop3A_189, %parallel_loop3A_190] {strides = array<i32>} : memref<32x512xf32, #tpu.memory_space<vmem>>, vector<1x16xf32>,
        %parallel_loop3A_192 = vector.shape_cast %parallel_loop3A_191 : vector<1x16xf32> to vector<16xf32>
        %parallel_loop3A_193 = arith.constant 9.99999997E-7 : f32
        %parallel_loop3A_194 = vector.broadcast %parallel_loop3A_193 : f32 to vector<16xf32>
        %parallel_loop3A_195 = arith.maximumf %parallel_loop3A_192, %parallel_loop3A_194 : vector<16xf32>
        %parallel_loop3A_196 = arith.constant 0.999998986 : f32
        %parallel_loop3A_197 = vector.broadcast %parallel_loop3A_196 : f32 to vector<16xf32>
        %parallel_loop3A_198 = arith.minimumf %parallel_loop3A_195, %parallel_loop3A_197 : vector<16xf32>
        %parallel_loop3A_199 = arith.constant 6.400000e+01 : f32
        %parallel_loop3A_200 = vector.broadcast %parallel_loop3A_199 : f32 to vector<16xf32>
        %parallel_loop3A_201 = arith.mulf %parallel_loop3A_198, %parallel_loop3A_200 : vector<16xf32>
        %parallel_loop3A_202 = arith.fptosi %parallel_loop3A_201 : vector<16xf32> to vector<16xi32>
        %parallel_loop3A_203 = arith.index_cast %parallel_loop3A_184 : i32 to index
        %parallel_loop3A_204 = arith.index_cast %parallel_loop3A_188 : i32 to index
        %parallel_loop3A_205 = tpu.vector_load %arg7[%parallel_loop3A_203, %parallel_loop3A_204] {strides = array<i32>} : memref<32x512xi32, #tpu.memory_space<vmem>>, vector<1x16xi32>,
        %parallel_loop3A_206 = vector.shape_cast %parallel_loop3A_205 : vector<1x16xi32> to vector<16xi32>
        %parallel_loop3A_207 = vector.shape_cast %parallel_loop3A_202 : vector<16xi32> to vector<1x16xi32>
        tpu.vector_store %arg7[%parallel_loop3A_203, %parallel_loop3A_204], %parallel_loop3A_207 {strides = array<i32>} : memref<32x512xi32, #tpu.memory_space<vmem>>, vector<1x16xi32>,
      } {sc.loop_unroll_factor = 8 : i64, sc.parallel_access}
    } {sc.loop_unroll_factor = 1 : i64, sc.parallel_access}
    %add3A_130 = arith.constant 160 : i32
    %add3A_131 = arith.addi %mul3A_2, %add3A_130 : i32
    %dma_start3A_132 = arith.constant 0 : i32
    %dma_start3A_133 = tpu.memref_slice %arg3[%add3A_131, %dma_start3A_132] : memref<8192x512xi32, #tpu.memory_space<hbm>> -> memref<32x512xi32, #tpu.memory_space<hbm>>
    %dma_start3A_134 = arith.constant 0 : i32
    %dma_start3A_135 = tpu.memref_slice %arg3[%add3A_131, %dma_start3A_134] : memref<8192x512xi32, #tpu.memory_space<hbm>> -> memref<32x512xi32, #tpu.memory_space<hbm>>
    tpu.enqueue_dma source(%arg7 : memref<32x512xi32, #tpu.memory_space<vmem>>) target(%dma_start3A_135 : memref<32x512xi32, #tpu.memory_space<hbm>>) target_semaphore(%arg11 : memref<!tpu.dma_semaphore, #tpu.memory_space<semaphore_mem>>)
    %add3A_136 = arith.constant 224 : i32
    %add3A_137 = arith.addi %mul3A_2, %add3A_136 : i32
    %dma_start3A_138 = arith.constant 0 : i32
    %dma_start3A_139 = tpu.memref_slice %arg2[%add3A_137, %dma_start3A_138] : memref<8192x512xf32, #tpu.memory_space<hbm>> -> memref<32x512xf32, #tpu.memory_space<hbm>>
    %dma_start3A_140 = arith.constant 0 : i32
    %dma_start3A_141 = tpu.memref_slice %arg2[%add3A_137, %dma_start3A_140] : memref<8192x512xf32, #tpu.memory_space<hbm>> -> memref<32x512xf32, #tpu.memory_space<hbm>>
    tpu.enqueue_dma source(%dma_start3A_141 : memref<32x512xf32, #tpu.memory_space<hbm>>) target(%arg5 : memref<32x512xf32, #tpu.memory_space<vmem>>) target_semaphore(%arg9 : memref<!tpu.dma_semaphore, #tpu.memory_space<semaphore_mem>>)
    %dma_wait3A_142 = arith.constant 0 : i32
    %dma_wait3A_143 = tpu.memref_slice %arg2[%add3A_114, %dma_wait3A_142] : memref<8192x512xf32, #tpu.memory_space<hbm>> -> memref<32x512xf32, #tpu.memory_space<hbm>>
    %dma_wait3A_144 = arith.constant 0 : i32
    %dma_wait3A_145 = tpu.memref_slice %arg2[%add3A_114, %dma_wait3A_144] : memref<8192x512xf32, #tpu.memory_space<hbm>> -> memref<32x512xf32, #tpu.memory_space<hbm>>
    tpu.wait_dma2 semaphore(%arg8 : memref<!tpu.dma_semaphore, #tpu.memory_space<semaphore_mem>>) src(%dma_wait3A_145 : memref<32x512xf32, #tpu.memory_space<hbm>>) dst(%arg4 : memref<32x512xf32, #tpu.memory_space<vmem>>)
    %dma_wait3A_146 = arith.constant 0 : i32
    %dma_wait3A_147 = tpu.memref_slice %arg3[%add3A_108, %dma_wait3A_146] : memref<8192x512xi32, #tpu.memory_space<hbm>> -> memref<32x512xi32, #tpu.memory_space<hbm>>
    %dma_wait3A_148 = arith.constant 0 : i32
    %dma_wait3A_149 = tpu.memref_slice %arg3[%add3A_108, %dma_wait3A_148] : memref<8192x512xi32, #tpu.memory_space<hbm>> -> memref<32x512xi32, #tpu.memory_space<hbm>>
    tpu.wait_dma2 semaphore(%arg10 : memref<!tpu.dma_semaphore, #tpu.memory_space<semaphore_mem>>) src(%arg6 : memref<32x512xi32, #tpu.memory_space<vmem>>) dst(%dma_wait3A_149 : memref<32x512xi32, #tpu.memory_space<hbm>>)
    %parallel_loop3A_150 = arith.constant 0 : i32
    %parallel_loop3A_151 = arith.constant 32 : i32
    %parallel_loop3A_152 = arith.constant 1 : i32
    scf.for %parallel_loop3A_184 = %parallel_loop3A_150 to %parallel_loop3A_151 step %parallel_loop3A_152  : i32 {
      %parallel_loop3A_185 = arith.constant 0 : i32
      %parallel_loop3A_186 = arith.constant 512 : i32
      %parallel_loop3A_187 = arith.constant 16 : i32
      scf.for %parallel_loop3A_188 = %parallel_loop3A_185 to %parallel_loop3A_186 step %parallel_loop3A_187  : i32 {
        %parallel_loop3A_189 = arith.index_cast %parallel_loop3A_184 : i32 to index
        %parallel_loop3A_190 = arith.index_cast %parallel_loop3A_188 : i32 to index
        %parallel_loop3A_191 = tpu.vector_load %arg4[%parallel_loop3A_189, %parallel_loop3A_190] {strides = array<i32>} : memref<32x512xf32, #tpu.memory_space<vmem>>, vector<1x16xf32>,
        %parallel_loop3A_192 = vector.shape_cast %parallel_loop3A_191 : vector<1x16xf32> to vector<16xf32>
        %parallel_loop3A_193 = arith.constant 9.99999997E-7 : f32
        %parallel_loop3A_194 = vector.broadcast %parallel_loop3A_193 : f32 to vector<16xf32>
        %parallel_loop3A_195 = arith.maximumf %parallel_loop3A_192, %parallel_loop3A_194 : vector<16xf32>
        %parallel_loop3A_196 = arith.constant 0.999998986 : f32
        %parallel_loop3A_197 = vector.broadcast %parallel_loop3A_196 : f32 to vector<16xf32>
        %parallel_loop3A_198 = arith.minimumf %parallel_loop3A_195, %parallel_loop3A_197 : vector<16xf32>
        %parallel_loop3A_199 = arith.constant 6.400000e+01 : f32
        %parallel_loop3A_200 = vector.broadcast %parallel_loop3A_199 : f32 to vector<16xf32>
        %parallel_loop3A_201 = arith.mulf %parallel_loop3A_198, %parallel_loop3A_200 : vector<16xf32>
        %parallel_loop3A_202 = arith.fptosi %parallel_loop3A_201 : vector<16xf32> to vector<16xi32>
        %parallel_loop3A_203 = arith.index_cast %parallel_loop3A_184 : i32 to index
        %parallel_loop3A_204 = arith.index_cast %parallel_loop3A_188 : i32 to index
        %parallel_loop3A_205 = tpu.vector_load %arg6[%parallel_loop3A_203, %parallel_loop3A_204] {strides = array<i32>} : memref<32x512xi32, #tpu.memory_space<vmem>>, vector<1x16xi32>,
        %parallel_loop3A_206 = vector.shape_cast %parallel_loop3A_205 : vector<1x16xi32> to vector<16xi32>
        %parallel_loop3A_207 = vector.shape_cast %parallel_loop3A_202 : vector<16xi32> to vector<1x16xi32>
        tpu.vector_store %arg6[%parallel_loop3A_203, %parallel_loop3A_204], %parallel_loop3A_207 {strides = array<i32>} : memref<32x512xi32, #tpu.memory_space<vmem>>, vector<1x16xi32>,
      } {sc.loop_unroll_factor = 8 : i64, sc.parallel_access}
    } {sc.loop_unroll_factor = 1 : i64, sc.parallel_access}
    %add3A_153 = arith.constant 192 : i32
    %add3A_154 = arith.addi %mul3A_2, %add3A_153 : i32
    %dma_start3A_155 = arith.constant 0 : i32
    %dma_start3A_156 = tpu.memref_slice %arg3[%add3A_154, %dma_start3A_155] : memref<8192x512xi32, #tpu.memory_space<hbm>> -> memref<32x512xi32, #tpu.memory_space<hbm>>
    %dma_start3A_157 = arith.constant 0 : i32
    %dma_start3A_158 = tpu.memref_slice %arg3[%add3A_154, %dma_start3A_157] : memref<8192x512xi32, #tpu.memory_space<hbm>> -> memref<32x512xi32, #tpu.memory_space<hbm>>
    tpu.enqueue_dma source(%arg6 : memref<32x512xi32, #tpu.memory_space<vmem>>) target(%dma_start3A_158 : memref<32x512xi32, #tpu.memory_space<hbm>>) target_semaphore(%arg10 : memref<!tpu.dma_semaphore, #tpu.memory_space<semaphore_mem>>)
    %dma_wait3A_159 = arith.constant 0 : i32
    %dma_wait3A_160 = tpu.memref_slice %arg2[%add3A_137, %dma_wait3A_159] : memref<8192x512xf32, #tpu.memory_space<hbm>> -> memref<32x512xf32, #tpu.memory_space<hbm>>
    %dma_wait3A_161 = arith.constant 0 : i32
    %dma_wait3A_162 = tpu.memref_slice %arg2[%add3A_137, %dma_wait3A_161] : memref<8192x512xf32, #tpu.memory_space<hbm>> -> memref<32x512xf32, #tpu.memory_space<hbm>>
    tpu.wait_dma2 semaphore(%arg9 : memref<!tpu.dma_semaphore, #tpu.memory_space<semaphore_mem>>) src(%dma_wait3A_162 : memref<32x512xf32, #tpu.memory_space<hbm>>) dst(%arg5 : memref<32x512xf32, #tpu.memory_space<vmem>>)
    %dma_wait3A_163 = arith.constant 0 : i32
    %dma_wait3A_164 = tpu.memref_slice %arg3[%add3A_131, %dma_wait3A_163] : memref<8192x512xi32, #tpu.memory_space<hbm>> -> memref<32x512xi32, #tpu.memory_space<hbm>>
    %dma_wait3A_165 = arith.constant 0 : i32
    %dma_wait3A_166 = tpu.memref_slice %arg3[%add3A_131, %dma_wait3A_165] : memref<8192x512xi32, #tpu.memory_space<hbm>> -> memref<32x512xi32, #tpu.memory_space<hbm>>
    tpu.wait_dma2 semaphore(%arg11 : memref<!tpu.dma_semaphore, #tpu.memory_space<semaphore_mem>>) src(%arg7 : memref<32x512xi32, #tpu.memory_space<vmem>>) dst(%dma_wait3A_166 : memref<32x512xi32, #tpu.memory_space<hbm>>)
    %parallel_loop3A_167 = arith.constant 0 : i32
    %parallel_loop3A_168 = arith.constant 32 : i32
    %parallel_loop3A_169 = arith.constant 1 : i32
    scf.for %parallel_loop3A_184 = %parallel_loop3A_167 to %parallel_loop3A_168 step %parallel_loop3A_169  : i32 {
      %parallel_loop3A_185 = arith.constant 0 : i32
      %parallel_loop3A_186 = arith.constant 512 : i32
      %parallel_loop3A_187 = arith.constant 16 : i32
      scf.for %parallel_loop3A_188 = %parallel_loop3A_185 to %parallel_loop3A_186 step %parallel_loop3A_187  : i32 {
        %parallel_loop3A_189 = arith.index_cast %parallel_loop3A_184 : i32 to index
        %parallel_loop3A_190 = arith.index_cast %parallel_loop3A_188 : i32 to index
        %parallel_loop3A_191 = tpu.vector_load %arg5[%parallel_loop3A_189, %parallel_loop3A_190] {strides = array<i32>} : memref<32x512xf32, #tpu.memory_space<vmem>>, vector<1x16xf32>,
        %parallel_loop3A_192 = vector.shape_cast %parallel_loop3A_191 : vector<1x16xf32> to vector<16xf32>
        %parallel_loop3A_193 = arith.constant 9.99999997E-7 : f32
        %parallel_loop3A_194 = vector.broadcast %parallel_loop3A_193 : f32 to vector<16xf32>
        %parallel_loop3A_195 = arith.maximumf %parallel_loop3A_192, %parallel_loop3A_194 : vector<16xf32>
        %parallel_loop3A_196 = arith.constant 0.999998986 : f32
        %parallel_loop3A_197 = vector.broadcast %parallel_loop3A_196 : f32 to vector<16xf32>
        %parallel_loop3A_198 = arith.minimumf %parallel_loop3A_195, %parallel_loop3A_197 : vector<16xf32>
        %parallel_loop3A_199 = arith.constant 6.400000e+01 : f32
        %parallel_loop3A_200 = vector.broadcast %parallel_loop3A_199 : f32 to vector<16xf32>
        %parallel_loop3A_201 = arith.mulf %parallel_loop3A_198, %parallel_loop3A_200 : vector<16xf32>
        %parallel_loop3A_202 = arith.fptosi %parallel_loop3A_201 : vector<16xf32> to vector<16xi32>
        %parallel_loop3A_203 = arith.index_cast %parallel_loop3A_184 : i32 to index
        %parallel_loop3A_204 = arith.index_cast %parallel_loop3A_188 : i32 to index
        %parallel_loop3A_205 = tpu.vector_load %arg7[%parallel_loop3A_203, %parallel_loop3A_204] {strides = array<i32>} : memref<32x512xi32, #tpu.memory_space<vmem>>, vector<1x16xi32>,
        %parallel_loop3A_206 = vector.shape_cast %parallel_loop3A_205 : vector<1x16xi32> to vector<16xi32>
        %parallel_loop3A_207 = vector.shape_cast %parallel_loop3A_202 : vector<16xi32> to vector<1x16xi32>
        tpu.vector_store %arg7[%parallel_loop3A_203, %parallel_loop3A_204], %parallel_loop3A_207 {strides = array<i32>} : memref<32x512xi32, #tpu.memory_space<vmem>>, vector<1x16xi32>,
      } {sc.loop_unroll_factor = 8 : i64, sc.parallel_access}
    } {sc.loop_unroll_factor = 1 : i64, sc.parallel_access}
    %add3A_170 = arith.constant 224 : i32
    %add3A_171 = arith.addi %mul3A_2, %add3A_170 : i32
    %dma_start3A_172 = arith.constant 0 : i32
    %dma_start3A_173 = tpu.memref_slice %arg3[%add3A_171, %dma_start3A_172] : memref<8192x512xi32, #tpu.memory_space<hbm>> -> memref<32x512xi32, #tpu.memory_space<hbm>>
    %dma_start3A_174 = arith.constant 0 : i32
    %dma_start3A_175 = tpu.memref_slice %arg3[%add3A_171, %dma_start3A_174] : memref<8192x512xi32, #tpu.memory_space<hbm>> -> memref<32x512xi32, #tpu.memory_space<hbm>>
    tpu.enqueue_dma source(%arg7 : memref<32x512xi32, #tpu.memory_space<vmem>>) target(%dma_start3A_175 : memref<32x512xi32, #tpu.memory_space<hbm>>) target_semaphore(%arg11 : memref<!tpu.dma_semaphore, #tpu.memory_space<semaphore_mem>>)
    %dma_wait3A_176 = arith.constant 0 : i32
    %dma_wait3A_177 = tpu.memref_slice %arg3[%add3A_154, %dma_wait3A_176] : memref<8192x512xi32, #tpu.memory_space<hbm>> -> memref<32x512xi32, #tpu.memory_space<hbm>>
    %dma_wait3A_178 = arith.constant 0 : i32
    %dma_wait3A_179 = tpu.memref_slice %arg3[%add3A_154, %dma_wait3A_178] : memref<8192x512xi32, #tpu.memory_space<hbm>> -> memref<32x512xi32, #tpu.memory_space<hbm>>
    tpu.wait_dma2 semaphore(%arg10 : memref<!tpu.dma_semaphore, #tpu.memory_space<semaphore_mem>>) src(%arg6 : memref<32x512xi32, #tpu.memory_space<vmem>>) dst(%dma_wait3A_179 : memref<32x512xi32, #tpu.memory_space<hbm>>)
    %dma_wait3A_180 = arith.constant 0 : i32
    %dma_wait3A_181 = tpu.memref_slice %arg3[%add3A_171, %dma_wait3A_180] : memref<8192x512xi32, #tpu.memory_space<hbm>> -> memref<32x512xi32, #tpu.memory_space<hbm>>
    %dma_wait3A_182 = arith.constant 0 : i32
    %dma_wait3A_183 = tpu.memref_slice %arg3[%add3A_171, %dma_wait3A_182] : memref<8192x512xi32, #tpu.memory_space<hbm>> -> memref<32x512xi32, #tpu.memory_space<hbm>>
    tpu.wait_dma2 semaphore(%arg11 : memref<!tpu.dma_semaphore, #tpu.memory_space<semaphore_mem>>) src(%arg7 : memref<32x512xi32, #tpu.memory_space<vmem>>) dst(%dma_wait3A_183 : memref<32x512xi32, #tpu.memory_space<hbm>>)
    return
  }
}

</mosaic_0001>

<sc_bundles>
// kernel: kernel.3.cloned.1.call-start
scs
__scs_entry_jumppad:
0x0: {  	(pc) =	sbr.rel $0x88, $3  }
0x1: {  	(tag) =	ssettag $0x0;
	lr =	simm.s32 $0x1  }
0x2: {  	[smem:$0x3FA0] =	sst lr;
	_ =	strace $0xD0000000  }
0x3: {  	_ = 	snop  }
0x4: {  	_ = 	snop  }
0x5: {  	_ = 	snop  }
0x6: {  	_ = 	snop  }
0x7: {  	_ = 	snop  }
__scs_overlays_trampoline_lowered:
0x8: {  	[smem:$0x3FAF] =	sst s0  }
0x9: {  	[smem:$0x3FB0] =	sst s1  }
0xa: {  	[smem:$0x3FB1] =	sst s2  }
0xb: {  	[smem:$0x3FB2] =	sst s3  }
0xc: {  	[smem:$0x3FB3] =	sst s4  }
0xd: {  	[smem:$0x3FB4] =	sst s5  }
0xe: {  	[smem:$0x3FB5] =	sst s6  }
0xf: {  	[smem:$0x3FB6] =	sst s7  }
0x10: {  	[smem:$0x3FB7] =	sst s8  }
0x11: {  	[smem:$0x3FB8] =	sst s9;
	s0 =	simm.s32 @!p0 $0x0  }
0x12: {  	s1 =	sld [smem:$0x3F9E];
	s0 =	simm.s32 @p0 $0x1  }
0x13: {  	[smem:$0x3FB9] =	sst s0;
	s0 =	simm.s32 @!p1 $0x0  }
0x14: {  	s2 =	sld [smem:$0x3F9D];
	s0 =	simm.s32 @p1 $0x1  }
0x15: {  	[smem:$0x3FBA] =	sst s0;
	s0 =	simm.s32 @!p2 $0x0  }
0x16: {  	s3 =	sld [smem:$0x3FDB];
	s0 =	simm.s32 @p2 $0x1  }
0x17: {  	s4 =	simm.s32 $0x1BF5;
	[smem:$0x3FBC] =	sst s0  }
0x18: {  	s0 =	sld [smem:$0x3F9F];
	_ =	swait.ge [sflag:s4], $0x0  }
0x19: {  	s7 =	sld [smem:$0x3FA0]  }
0x1a: {  	s8 =	sadd.s32 $0xFFFFE003, lr  }
0x1b: {  	s9 =	sadd.s32 $0xFFFFFEF7, lr;
	s5 =	simm.s32 $0xFFFFFFFF;
	p2 =	slt.u32 s8, $0xFFFFF086  }
0x1c: {  	p1 =	slt.u32 s9, $0xF7A;
	s5 =	simm.s32 @!p2 $0x0  }
0x1d: {  	s5 =	simm.s32 @p1 $0x1;
	p0 =	seq.s32 s7, s2  }
0x1e: {  	s7 =	smul.u32 @!p0 $0xF7A, s2;
	p2 =	seq.s32 @!p0 s5, $0x0  }
0x1f: {  	s9 =	smul.u32 $0xF7A, s1;
	s8 =	simm.s32 @!p0 $0x1BF5;
	p2 =	por !p2, p0  }
0x20: {  	[sflag:s8] =	ssyncset.s32 @!p0 $0xFFFFF086;
	s6 =	sadd.s32 @!p0 s3, s7;
	s7 =	simm.s32 @!p0 $0x108  }
0x21: {  	s3 =	sadd.s32 s3, s9;
	s6 =	sadd.s32 @!p0 $0x88, s6;
	s7 =	simm.s32 @p2 $0x1082  }
0x22: {  	[simem:s7], [sflag:s8] =	dma.local @!p0 [hbm:s6], $0xF7A  }
0x23: {  	s9 =	sor.u32 $0xD0000000, s2;
	s6 =	simm.s32 $0x108;
	_ =	swait.ge @!p0 [sflag:s8], $0x0  }
0x24: {  	s3 =	sadd.s32 $0x88, s3;
	s6 =	simm.s32 @!p1 $0x1082;
	[sflag:s4] =	ssyncset.s32 $0xFFFFF086  }
0x25: {  	[simem:s6], [sflag:s4] =	dma.local [hbm:s3], $0xF7A  }
0x26: {  	[smem:$0x3FA0] =	sst s1;
	(tag) =	ssettag s2;
	_ =	strace s9  }
0x27: {  	s1 =	sld [smem:$0x3FB0]  }
0x28: {  	s2 =	sld [smem:$0x3FB1]  }
0x29: {  	s4 =	sld [smem:$0x3FB3]  }
0x2a: {  	p0 =	seq.s32 s5, $0x0;
	s5 =	sld [smem:$0x3FB4]  }
0x2b: {  	s6 =	sld [smem:$0x3FB5]  }
0x2c: {  	s7 =	sld [smem:$0x3FB6]  }
0x2d: {  	s3 =	simm.s32 $0x108;
	s8 =	sld [smem:$0x3FB7]  }
0x2e: {  	s3 =	simm.s32 @!p0 $0x1082;
	s9 =	sld [smem:$0x3FB8]  }
0x2f: {  	lr =	sadd.s32 s0, s3;
	s0 =	sld [smem:$0x3FAF]  }
0x30: {  	s3 =	sld [smem:$0x3FB2]  }
0x31: {  	[smem:$0x3FBB] =	sst s10  }
0x32: {  	s10 =	sld [smem:$0x3FB9];
	_ =	sdelay $0x3  }
0x33: {  	p0 =	seq.s32 s10, $0x1;
	s10 =	sld [smem:$0x3FBB];
	_ =	sdelay $0x3  }
0x34: {  	[smem:$0x3FBB] =	sst s10  }
0x35: {  	s10 =	sld [smem:$0x3FBA];
	_ =	sdelay $0x3  }
0x36: {  	p1 =	seq.s32 s10, $0x1;
	s10 =	sld [smem:$0x3FBB];
	_ =	sdelay $0x3  }
0x37: {  	[smem:$0x3FBB] =	sst s10  }
0x38: {  	s10 =	sld [smem:$0x3FBC]  }
0x39: {  	_ = 	snop;
	(pc) =	sbr.ind lr, $3  }
0x3a: {  	_ = 	snop  }
0x3b: {  	_ = 	snop  }
0x3c: {  	p2 =	seq.s32 s10, $0x1;
	s10 =	sld [smem:$0x3FBB]  }
0x3d: {  	_ =	shalt  }
0x3e: {  	_ =	shalt  }
0x3f: {  	_ =	shalt  }
0x40: {  	_ =	shalt  }
0x41: {  	_ =	shalt  }
0x42: {  	_ =	shalt  }
0x43: {  	_ =	shalt  }
0x44: {  	_ =	shalt  }
0x45: {  	_ =	shalt  }
0x46: {  	_ =	shalt  }
0x47: {  	_ =	shalt  }
0x48: {  	_ =	shalt  }
0x49: {  	_ =	shalt  }
0x4a: {  	_ =	shalt  }
0x4b: {  	_ =	shalt  }
0x4c: {  	_ =	shalt  }
0x4d: {  	_ =	shalt  }
0x4e: {  	_ =	shalt  }
0x4f: {  	_ =	shalt  }
0x50: {  	_ =	shalt  }
0x51: {  	_ =	shalt  }
0x52: {  	_ =	shalt  }
0x53: {  	_ =	shalt  }
0x54: {  	_ =	shalt  }
0x55: {  	_ =	shalt  }
0x56: {  	_ =	shalt  }
0x57: {  	_ =	shalt  }
0x58: {  	_ =	shalt  }
0x59: {  	_ =	shalt  }
0x5a: {  	_ =	shalt  }
0x5b: {  	_ =	shalt  }
0x5c: {  	_ =	shalt  }
0x5d: {  	_ =	shalt  }
0x5e: {  	_ =	shalt  }
0x5f: {  	_ =	shalt  }
0x60: {  	_ =	shalt  }
0x61: {  	_ =	shalt  }
0x62: {  	_ =	shalt  }
0x63: {  	_ =	shalt  }
0x64: {  	_ =	shalt  }
0x65: {  	_ =	shalt  }
0x66: {  	_ =	shalt  }
0x67: {  	_ =	shalt  }
0x68: {  	_ =	shalt  }
0x69: {  	_ =	shalt  }
0x6a: {  	_ =	shalt  }
0x6b: {  	_ =	shalt  }
0x6c: {  	_ =	shalt  }
0x6d: {  	_ =	shalt  }
0x6e: {  	_ =	shalt  }
0x6f: {  	_ =	shalt  }
0x70: {  	_ =	shalt  }
0x71: {  	_ =	shalt  }
0x72: {  	_ =	shalt  }
0x73: {  	_ =	shalt  }
0x74: {  	_ =	shalt  }
0x75: {  	_ =	shalt  }
0x76: {  	_ =	shalt  }
0x77: {  	_ =	shalt  }
0x78: {  	_ =	shalt  }
0x79: {  	_ =	shalt  }
0x7a: {  	_ =	shalt  }
0x7b: {  	_ =	shalt  }
0x7c: {  	_ =	shalt  }
0x7d: {  	_ =	shalt  }
0x7e: {  	_ =	shalt  }
0x7f: {  	_ =	shalt  }
0x80: {  	_ =	shalt  }
0x81: {  	_ =	shalt  }
0x82: {  	_ =	shalt  }
0x83: {  	_ =	shalt  }
0x84: {  	_ =	shalt  }
0x85: {  	_ =	shalt  }
0x86: {  	_ =	shalt  }
0x87: {  	_ =	shalt  }
.Lfunc_end0:
.L_simem_size_0:
called_computation_lowered:
.L_overlay_start_0:
0x88: {  	s2 =	sld [smem:$0x3FD9]  }
0x89: {  	s3 =	sld [smem:$0x3FFE];
	_ =	sdelay $0x1  }
0x8a: {  	s1 =	srdreg.scid  }
0x8b: {  	s0 =	sand.u32 $0x1, s1  }
0x8c: {  	s18 =	sshll.u32 s0, $0xA;
	s2 =	sadd.s32 s3, s2  }
0x8d: {  	s2 =	sadd.s32 s2, s18  }
0x8e: {  	[smem:$0x3FC7] =	sst s2  }
0x8f: {  	_ = 	snop  }
0x90: {  	s2 =	sld [smem:$0x3FC9]  }
0x91: {  	s19 =	sld [smem:$0x3FD0];
	(tm) =	ssettm $0x1  }
0x92: {  	s4 =	sld [smem:$0x3FFB];
	_ =	sdelay $0x3  }
0x93: {  	_ =	strace s4  }
0x94: {  	s4 =	sld [smem:$0x3FFC];
	_ =	sdelay $0x3  }
0x95: {  	_ =	strace s4  }
0x96: {  	s4 =	sld [smem:$0x3FFD];
	_ =	sdelay $0x3  }
0x97: {  	_ =	strace s4  }
0x98: {  	_ =	strace $0x8FFFFFFF  }
0x99: {  	s20 =	sld [smem:$0x3FDB];
	_ =	sdelay $0x1  }
0x9a: {  	s5 =	simm.s32 $_scs_section_size  }
0x9b: {  	s6 =	simm.s32 $_size__tile_overlayer_lowered;
	s7 =	simm.s32 $_tile_overlayer_lowered  }
0x9c: {  	s23 =	simm.s32 $0x1BFF;
	s22 =	sshll.u32 s7, $0x1;
	s4 =	sadd.s32 s5, s20  }
0x9d: {  	s8 =	simm.s32 $0x0;
	s21 =	sshll.u32 s6, $0x1;
	s6 =	sadd.s32 s22, s4  }
0x9e: {  	[timem:s8], [sflag:s23] =	dma.local [hbm:s6], s21  }
0x9f: {  	_ =	swait.ge [sflag:s23], s21  }
0xa0: {  	s5 =	ssub.s32 $0x0, s21;
	[sflag:s23] =	ssyncset.done $0x0  }
0xa1: {  	[sflag:s23] =	ssyncadd.s32 s5;
	_ =	sdelay $0x1  }
0xa2: {  	s24 =	simm.s32 $0x1B8B  }
0xa3: {  	_ =	swait.ge [sflag:s24], $0x1  }
0xa4: {  	[sflag:s24] =	ssyncset.done $0x0  }
0xa5: {  	s25 =	simm.s32 $0x1B8E;
	[sflag:s24] =	ssyncadd.s32 $0xFFFFFFFF  }
0xa6: {  	s26 =	simm.s32 $execute0_lowered;
	[smem:$0x3FD2] =	sst s25  }
0xa7: {  	s5 =	sshll.u32 s26, $0x1;
	_ =	strace $0x80000046;
	[dreg:$0x1] =	wrdreg $0xFFFFFFFF  }
0xa8: {  	s28 =	simm.s32 $_size_execute0_lowered;
	s4 =	sadd.s32 s4, s5;
	[dreg:$0x0] =	wrdreg $0x0  }
0xa9: {  	s5 =	sshll.u32 s28, $0x1;
	[dreg:$0x2] =	wrdreg s4  }
0xaa: {  	[dreg:$0x3] =	wrdreg s5  }
0xab: {  	[dreg:$0x4] =	wrdreg $0xC0  }
0xac: {  	_ =	task [dreg:s8], $0x5FFFF  }
0xad: {  	[dreg:$0x1] =	wrdreg $0xFFFFFFFF  }
0xae: {  	[dreg:$0x0] =	wrdreg $0x60  }
0xaf: {  	[dreg:$0x2] =	wrdreg s2  }
0xb0: {  	[dreg:$0x3] =	wrdreg s19  }
0xb1: {  	[dreg:$0x4] =	wrdreg $0x9  }
0xb2: {  	_ =	task.clear_ibuf [dreg:s8], $0x5FFFF;
	_ =	strace $0x90000046  }
0xb3: {  	s29 =	simm.s32 $0x9;
	_ =	strace $0x80000048  }
0xb4: {  	_ =	swait.ge [sflag:s29], $0x1  }
0xb5: {  	[sflag:s29] =	ssyncadd.s32 $0xFFFFFFFF  }
0xb6: {  	_ =	strace $0x90000048  }
0xb7: {  	_ =	sfence  }
0xb8: {  	s30 =	sld [smem:$0x0];
	_ =	sdelay $0x2  }
0xb9: {  	s31 =	sshll.u32 s1, $0xD;
	s1 =	sshrl.u32 s1, $0x2  }
0xba: {  	s3 =	sand.u32 $0x4000, s31;
	s1 =	sadd.s32 s1, s30  }
0xbb: {  	s0 =	sor.u32 s3, s0;
	s1 =	sshll.u32 s1, $0x11  }
0xbc: {  	s0 =	sor.u32 s1, s0  }
0xbd: {  	s0 =	sadd.s32 $0x8F2B, s0  }
0xbe: {  	[sflag:s0] =	ssyncadd.remote.s32 $0x1  }
0xbf: {  	_ =	sfence.sel $0xFFFF  }
0xc0: {  	[dreg:$0x0] =	wrdreg $0xFFFFFFFF;
	(pc) =	sbr.abs _section_cstart, $3  }
0xc1: {  	[dreg:$0x1] =	wrdreg $0xFFFFFFFF  }
0xc2: {  	_ =	task.clear_ibuf [dreg:s8], $0x2FFFF;
	_ =	strace $0x9FFFFFFF  }
0xc3: {  	(tm) =	ssettm $0x7FFFFFFF  }
tec
execute0_lowered:
.L_overlay_start_1:
0x0: {  	(tag) =	ssettag $0x1  }
0x1: {  	s0 =	rddreg [dreg:$0x0]  }
0x2: {  	s1 =	rddreg [dreg:$0x1];
	s2 =	simm.s32 $0x0  }
0x3: {  	s3 =	srdreg.scid;
	s5 =	stileid.u32;
	s20 =	simm.s32 $0x4000  }
0x4: {  	s21 =	simm.s32 $0x1;
	s22 =	simm.s32 $0x8000;
	s23 =	simm.s32 $0x2  }
0x5: {  	s24 =	simm.s32 $0xC000;
	s25 =	simm.s32 $0x3;
	s26 =	simm.s32 $0x4  }
0x6: {  	s28 =	simm.s32 $0x0;
	[smem:$0x7FF] =	sst s2;
	s3 =	sand.u32 $0x1, s3  }
0x7: {  	s5 =	sshll.u32 s5, $0xF;
	s4 =	ssub.s32 $0x2, s3;
	s3 =	sshll.u32 s3, $0xE  }
0x8: {  	_ =	strace $0x80000047;
	s6 =	sshrl.u32 s4, $0x1;
	s3 =	sor.u32 s3, s5  }
0x9: {  	s4 =	ssub.s32 s4, s6;
	s5 =	sadd.s32 s0, s3;
	s7 =	sor.u32 $0x800, s3  }
0xa: {  	s9 =	sor.u32 $0x1000, s3;
	s11 =	sor.u32 $0x1800, s3;
	s13 =	sor.u32 $0x2000, s3  }
0xb: {  	s15 =	sor.u32 $0x2800, s3;
	s17 =	sor.u32 $0x3000, s3;
	[dreg:$0x3] =	wrdreg s5  }
0xc: {  	s31 =	sadd.s32 s0, s7;
	s5 =	sadd.s32 s1, s3;
	s6 =	sadd.s32 s0, s9  }
0xd: {  	s7 =	sadd.s32 s1, s7;
	s8 =	sadd.s32 s0, s11;
	s9 =	sadd.s32 s1, s9  }
0xe: {  	s10 =	sadd.s32 s0, s13;
	s11 =	sadd.s32 s1, s11;
	s12 =	sadd.s32 s0, s15  }
0xf: {  	s13 =	sadd.s32 s1, s13;
	s14 =	sadd.s32 s0, s17;
	s15 =	sadd.s32 s1, s15  }
0x10: {  	s3 =	sor.u32 $0x3800, s3;
	s17 =	sadd.s32 s1, s17;
	s19 =	smax.u32 s4, $0x1  }
0x11: {  	[dreg:$0x4] =	wrdreg s31;
	s16 =	sadd.s32 s0, s3;
	s18 =	sadd.s32 s1, s3  }
.LBB2_1:
0x12: {  	s0 =	rddreg [dreg:$0x3]  }
0x13: {  	[tilespmem:s2], [sflag:$0x1] =	stream.linear.gather [hbm4b:s0+s2], $0x4000, $0x38;
	[tilespmem:$0x10000] =	vst v63  }
0x14: {  	s4 =	rddreg [dreg:$0x4]  }
0x15: {  	[tilespmem:s20], [sflag:$0x2] =	stream.linear.gather [hbm4b:s4+s2], $0x4000, $0x38;
	[tilespmem:$0x10000] =	vst v63  }
0x16: {  	_ =	swait.ge [sflag:s21], $0x4000  }
0x17: {  	s29 =	simm.s32 $0x0;
	[sflag:s21] =	ssyncset.done $0x0  }
0x18: {  	s30 =	simm.s32 $0x0;
	s31 =	simm.s32 $0x0;
	[sflag:s21] =	ssyncadd.s32 $0xFFFFC000  }
.LBB2_2:
0x19: {  	s0 =	sshll.u32 s30, $0x2;
	s1 =	sand.u32 $0x7, s29  }
0x1a: {  	s0 =	sand.u32 $0xFFFFC000, s0;
	s1 =	sshll.u32 s1, $0x9  }
0x1b: {  	s0 =	sor.u32 s1, s0  }
0x1c: {  	s0 =	sshrl.u32 s0, $0x2  }
0x1d: {  	s4 =	sor.u32 $0x40, s0  }
0x1e: {  	v0 =	vld [tilespmem:s4+$0xFFFFFFD0]  }
0x1f: {  	v1 =	vld [tilespmem:s4+$0x30]  }
0x20: {  	v2 =	vld [tilespmem:s4+$0x20]  }
0x21: {  	v3 =	vld [tilespmem:s4+$0x10];
	_ =	sdelay $0x1  }
0x22: {  	v5 =	vld [tilespmem:s4+$0xFFFFFFE0]  }
0x23: {  	v4 =	vld [tilespmem:s4+$0xFFFFFFC0]  }
0x24: {  	v6 =	vld [tilespmem:s4+$0xFFFFFFF0];
	v0 =	vmax.f32 v0, $9.999999970e-07;
	v1 =	vmax.f32 v1, $9.999999970e-07  }
0x25: {  	v7 =	vld [tilespmem:s4+$0x0];
	v2 =	vmax.f32 v2, $9.999999970e-07;
	v3 =	vmax.f32 v3, $9.999999970e-07;
	v0 =	vmin.f32 v0, $9.999989860e-01  }
0x26: {  	v1 =	vmin.f32 v1, $9.999989860e-01;
	v2 =	vmin.f32 v2, $9.999989860e-01;
	v3 =	vmin.f32 v3, $9.999989860e-01  }
0x27: {  	v8 =	vmul.f32 $6.400000000e+01, v1;
	v10 =	vmul.f32 $6.400000000e+01, v0;
	v0 =	vmax.f32 v5, $9.999999970e-07  }
0x28: {  	v1 =	vmax.f32 v4, $9.999999970e-07;
	v9 =	vmul.f32 $6.400000000e+01, v2;
	v4 =	vmin.f32 v0, $9.999989860e-01  }
0x29: {  	s1 =	sadd.s32 $0x8040, s0;
	v0 =	vmax.f32 v6, $9.999999970e-07;
	v2 =	vtrunc.f32 v8;
	v5 =	vtrunc.f32 v10  }
0x2a: {  	s3 =	simm.s32 $0x0;
	s4 =	sadd.s32 $0x400, s4;
	s0 =	smov.u32 s1;
	v6 =	vmax.f32 v7, $9.999999970e-07;
	v7 =	vtrunc.f32 v9;
	v2 =	vcvt.f32.s32 v2  }
.LBB2_3:
0x2b: {  	v1 =	vmin.f32 v1, $9.999989860e-01;
	v3 =	vmul.f32 $6.400000000e+01, v3  }
0x2c: {  	v8 =	vld [tilespmem:s4+$0xFFFFFFD0];
	s3 =	sadd.s32 $0x80, s3;
	v7 =	vcvt.f32.s32 v7;
	s1 =	sadd.s32 $0x400, s1;
	v4 =	vmul.f32 $6.400000000e+01, v4;
	v6 =	vmin.f32 v6, $9.999989860e-01  }
0x2d: {  	v5 =	vcvt.f32.s32 v5;
	v0 =	vmin.f32 v0, $9.999989860e-01;
	v9 =	vld [tilespmem:s4+$0x30];
	p0 =	slt.u32 s3, $0x180;
	v1 =	vmul.f32 $6.400000000e+01, v1  }
0x2e: {  	v6 =	vmul.f32 $6.400000000e+01, v6;
	v0 =	vmul.f32 $6.400000000e+01, v0;
	v10 =	vld [tilespmem:s4+$0x20];
	[tilespmem:s0+$0x30] =	vst v2  }
0x2f: {  	v4 =	vtrunc.f32 v4;
	v3 =	vtrunc.f32 v3;
	v2 =	vld [tilespmem:s4+$0x10];
	[tilespmem:s0+$0x20] =	vst v7  }
0x30: {  	v4 =	vcvt.f32.s32 v4;
	v3 =	vcvt.f32.s32 v3;
	v7 =	vld [tilespmem:s4+$0xFFFFFFC0];
	[tilespmem:s0+$0xFFFFFFD0] =	vst v5  }
0x31: {  	v1 =	vtrunc.f32 v1;
	v6 =	vtrunc.f32 v6;
	v5 =	vmax.f32 v8, $9.999999970e-07;
	v8 =	vld [tilespmem:s4+$0xFFFFFFF0]  }
0x32: {  	v0 =	vtrunc.f32 v0;
	v12 =	vcvt.f32.s32 v1;
	v5 =	vmin.f32 v5, $9.999989860e-01;
	v11 =	vld [tilespmem:s4+$0xFFFFFFE0];
	[tilespmem:s0+$0x10] =	vst v3  }
0x33: {  	v0 =	vcvt.f32.s32 v0;
	v1 =	vmax.f32 v9, $9.999999970e-07;
	v3 =	vmax.f32 v10, $9.999999970e-07  }
0x34: {  	v10 =	vmin.f32 v1, $9.999989860e-01;
	v9 =	vld [tilespmem:s4+$0x0];
	v2 =	vmax.f32 v2, $9.999999970e-07;
	[tilespmem:s0+$0xFFFFFFE0] =	vst v4;
	v4 =	vmin.f32 v3, $9.999989860e-01  }
.Ltmp0:
0x35: {  	v1 =	vmax.f32 v7, $9.999999970e-07;
	v7 =	vmul.f32 $6.400000000e+01, v10;
	[tilespmem:s0+$0xFFFFFFC0] =	vst v12;
	(pc) =	sbr.rel @p0 .LBB2_3-.Ltmp0, $4  }
0x36: {  	v6 =	vcvt.f32.s32 v6;
	v3 =	vmin.f32 v2, $9.999989860e-01;
	v10 =	vmul.f32 $6.400000000e+01, v4;
	[tilespmem:s0+$0xFFFFFFF0] =	vst v0  }
0x37: {  	v5 =	vmul.f32 $6.400000000e+01, v5;
	v0 =	vmax.f32 v11, $9.999999970e-07;
	v2 =	vtrunc.f32 v7  }
0x38: {  	v4 =	vmin.f32 v0, $9.999989860e-01;
	v0 =	vmax.f32 v8, $9.999999970e-07;
	v2 =	vcvt.f32.s32 v2;
	[tilespmem:s0+$0x0] =	vst v6;
	s0 =	smov.u32 s1  }
0x39: {  	s4 =	sadd.s32 $0x400, s4;
	v5 =	vtrunc.f32 v5;
	v7 =	vtrunc.f32 v10;
	v6 =	vmax.f32 v9, $9.999999970e-07  }
0x3a: {  	v1 =	vmin.f32 v1, $9.999989860e-01;
	v3 =	vmul.f32 $6.400000000e+01, v3;
	v7 =	vcvt.f32.s32 v7  }
0x3b: {  	v4 =	vmul.f32 $6.400000000e+01, v4;
	v6 =	vmin.f32 v6, $9.999989860e-01;
	v5 =	vcvt.f32.s32 v5  }
0x3c: {  	v0 =	vmin.f32 v0, $9.999989860e-01;
	v1 =	vmul.f32 $6.400000000e+01, v1;
	v6 =	vmul.f32 $6.400000000e+01, v6  }
0x3d: {  	[tilespmem:s0+$0x30] =	vst v2;
	v0 =	vmul.f32 $6.400000000e+01, v0;
	v3 =	vtrunc.f32 v3  }
0x3e: {  	s31 =	sadd.s32 $0x1, s31;
	v61 =	vtrunc.f32 v4;
	[tilespmem:s0+$0x20] =	vst v7;
	v3 =	vcvt.f32.s32 v3  }
0x3f: {  	p0 =	sne.s32 s31, $0x20;
	[tilespmem:s0+$0xFFFFFFD0] =	vst v5;
	v2 =	vcvt.f32.s32 v61;
	v1 =	vtrunc.f32 v1  }
.Ltmp1:
0x40: {  	v0 =	vtrunc.f32 v0;
	v1 =	vcvt.f32.s32 v1;
	[tilespmem:s0+$0x10] =	vst v3;
	(pc) =	sbr.rel @p0 .LBB2_2-.Ltmp1, $4  }
0x41: {  	v62 =	vtrunc.f32 v6;
	v0 =	vcvt.f32.s32 v0;
	[tilespmem:s0+$0xFFFFFFE0] =	vst v2  }
0x42: {  	v63 =	vcvt.f32.s32 v62;
	[tilespmem:s0+$0xFFFFFFC0] =	vst v1  }
0x43: {  	[tilespmem:s0+$0xFFFFFFF0] =	vst v0  }
0x44: {  	s30 =	sadd.s32 $0x200, s30;
	s29 =	sadd.s32 $0x1, s29;
	[tilespmem:s0+$0x0] =	vst v63  }
0x45: {  	s29 =	simm.s32 $0x0  }
0x46: {  	[hbm4b:s5+s29] =	stream.linear.scatter [tilespmem:s22], [sflag:$0x3], $0x4000, $0x38;
	[tilespmem:$0x10000] =	vst v63  }
0x47: {  	_ = 	snop  }
0x48: {  	[tilespmem:s29], [sflag:$0x1] =	stream.linear.gather [hbm4b:s6+s29], $0x4000, $0x38;
	[tilespmem:$0x10000] =	vst v63  }
0x49: {  	_ =	swait.ge [sflag:s23], $0x4000  }
0x4a: {  	[sflag:s23] =	ssyncset.done $0x0  }
0x4b: {  	s30 =	simm.s32 $0x0;
	s31 =	simm.s32 $0x0;
	[sflag:s23] =	ssyncadd.s32 $0xFFFFC000  }
.LBB2_6:
0x4c: {  	s0 =	sshll.u32 s30, $0x2;
	s1 =	sand.u32 $0x7, s29  }
0x4d: {  	s0 =	sand.u32 $0xFFFFC000, s0;
	s1 =	sshll.u32 s1, $0x9  }
0x4e: {  	s0 =	sor.u32 s1, s0  }
0x4f: {  	s0 =	sshrl.u32 s0, $0x2  }
0x50: {  	s4 =	sadd.s32 $0x4040, s0  }
0x51: {  	v0 =	vld [tilespmem:s4+$0xFFFFFFD0]  }
0x52: {  	v1 =	vld [tilespmem:s4+$0x30]  }
0x53: {  	v2 =	vld [tilespmem:s4+$0x20]  }
0x54: {  	v3 =	vld [tilespmem:s4+$0x10];
	_ =	sdelay $0x1  }
0x55: {  	v5 =	vld [tilespmem:s4+$0xFFFFFFE0]  }
0x56: {  	v4 =	vld [tilespmem:s4+$0xFFFFFFC0]  }
0x57: {  	v6 =	vld [tilespmem:s4+$0xFFFFFFF0];
	v0 =	vmax.f32 v0, $9.999999970e-07;
	v1 =	vmax.f32 v1, $9.999999970e-07  }
0x58: {  	v7 =	vld [tilespmem:s4+$0x0];
	v2 =	vmax.f32 v2, $9.999999970e-07;
	v3 =	vmax.f32 v3, $9.999999970e-07;
	v0 =	vmin.f32 v0, $9.999989860e-01  }
0x59: {  	v1 =	vmin.f32 v1, $9.999989860e-01;
	v2 =	vmin.f32 v2, $9.999989860e-01;
	v3 =	vmin.f32 v3, $9.999989860e-01  }
0x5a: {  	v8 =	vmul.f32 $6.400000000e+01, v1;
	v10 =	vmul.f32 $6.400000000e+01, v0;
	v0 =	vmax.f32 v5, $9.999999970e-07  }
0x5b: {  	v1 =	vmax.f32 v4, $9.999999970e-07;
	v9 =	vmul.f32 $6.400000000e+01, v2;
	v4 =	vmin.f32 v0, $9.999989860e-01  }
0x5c: {  	s1 =	sadd.s32 $0xC040, s0;
	v0 =	vmax.f32 v6, $9.999999970e-07;
	v2 =	vtrunc.f32 v8;
	v5 =	vtrunc.f32 v10  }
0x5d: {  	s3 =	simm.s32 $0x0;
	s4 =	sadd.s32 $0x400, s4;
	s0 =	smov.u32 s1;
	v6 =	vmax.f32 v7, $9.999999970e-07;
	v7 =	vtrunc.f32 v9;
	v2 =	vcvt.f32.s32 v2  }
.LBB2_7:
0x5e: {  	v1 =	vmin.f32 v1, $9.999989860e-01;
	v3 =	vmul.f32 $6.400000000e+01, v3  }
0x5f: {  	v8 =	vld [tilespmem:s4+$0xFFFFFFD0];
	s3 =	sadd.s32 $0x80, s3;
	v7 =	vcvt.f32.s32 v7;
	s1 =	sadd.s32 $0x400, s1;
	v4 =	vmul.f32 $6.400000000e+01, v4;
	v6 =	vmin.f32 v6, $9.999989860e-01  }
0x60: {  	v5 =	vcvt.f32.s32 v5;
	v0 =	vmin.f32 v0, $9.999989860e-01;
	v9 =	vld [tilespmem:s4+$0x30];
	p0 =	slt.u32 s3, $0x180;
	v1 =	vmul.f32 $6.400000000e+01, v1  }
0x61: {  	v6 =	vmul.f32 $6.400000000e+01, v6;
	v0 =	vmul.f32 $6.400000000e+01, v0;
	v10 =	vld [tilespmem:s4+$0x20];
	[tilespmem:s0+$0x30] =	vst v2  }
0x62: {  	v4 =	vtrunc.f32 v4;
	v3 =	vtrunc.f32 v3;
	v2 =	vld [tilespmem:s4+$0x10];
	[tilespmem:s0+$0x20] =	vst v7  }
0x63: {  	v4 =	vcvt.f32.s32 v4;
	v3 =	vcvt.f32.s32 v3;
	v7 =	vld [tilespmem:s4+$0xFFFFFFC0];
	[tilespmem:s0+$0xFFFFFFD0] =	vst v5  }
0x64: {  	v1 =	vtrunc.f32 v1;
	v6 =	vtrunc.f32 v6;
	v5 =	vmax.f32 v8, $9.999999970e-07;
	v8 =	vld [tilespmem:s4+$0xFFFFFFF0]  }
0x65: {  	v0 =	vtrunc.f32 v0;
	v12 =	vcvt.f32.s32 v1;
	v5 =	vmin.f32 v5, $9.999989860e-01;
	v11 =	vld [tilespmem:s4+$0xFFFFFFE0];
	[tilespmem:s0+$0x10] =	vst v3  }
0x66: {  	v0 =	vcvt.f32.s32 v0;
	v1 =	vmax.f32 v9, $9.999999970e-07;
	v3 =	vmax.f32 v10, $9.999999970e-07  }
0x67: {  	v10 =	vmin.f32 v1, $9.999989860e-01;
	v9 =	vld [tilespmem:s4+$0x0];
	v2 =	vmax.f32 v2, $9.999999970e-07;
	[tilespmem:s0+$0xFFFFFFE0] =	vst v4;
	v4 =	vmin.f32 v3, $9.999989860e-01  }
.Ltmp2:
0x68: {  	v1 =	vmax.f32 v7, $9.999999970e-07;
	v7 =	vmul.f32 $6.400000000e+01, v10;
	[tilespmem:s0+$0xFFFFFFC0] =	vst v12;
	(pc) =	sbr.rel @p0 .LBB2_7-.Ltmp2, $4  }
0x69: {  	v6 =	vcvt.f32.s32 v6;
	v3 =	vmin.f32 v2, $9.999989860e-01;
	v10 =	vmul.f32 $6.400000000e+01, v4;
	[tilespmem:s0+$0xFFFFFFF0] =	vst v0  }
0x6a: {  	v5 =	vmul.f32 $6.400000000e+01, v5;
	v0 =	vmax.f32 v11, $9.999999970e-07;
	v2 =	vtrunc.f32 v7  }
0x6b: {  	v4 =	vmin.f32 v0, $9.999989860e-01;
	v0 =	vmax.f32 v8, $9.999999970e-07;
	v2 =	vcvt.f32.s32 v2;
	[tilespmem:s0+$0x0] =	vst v6;
	s0 =	smov.u32 s1  }
0x6c: {  	s4 =	sadd.s32 $0x400, s4;
	v5 =	vtrunc.f32 v5;
	v7 =	vtrunc.f32 v10;
	v6 =	vmax.f32 v9, $9.999999970e-07  }
0x6d: {  	v1 =	vmin.f32 v1, $9.999989860e-01;
	v3 =	vmul.f32 $6.400000000e+01, v3;
	v7 =	vcvt.f32.s32 v7  }
0x6e: {  	v4 =	vmul.f32 $6.400000000e+01, v4;
	v6 =	vmin.f32 v6, $9.999989860e-01;
	v5 =	vcvt.f32.s32 v5  }
0x6f: {  	v0 =	vmin.f32 v0, $9.999989860e-01;
	v1 =	vmul.f32 $6.400000000e+01, v1;
	v6 =	vmul.f32 $6.400000000e+01, v6  }
0x70: {  	[tilespmem:s0+$0x30] =	vst v2;
	v0 =	vmul.f32 $6.400000000e+01, v0;
	v3 =	vtrunc.f32 v3  }
0x71: {  	s31 =	sadd.s32 $0x1, s31;
	v61 =	vtrunc.f32 v4;
	[tilespmem:s0+$0x20] =	vst v7;
	v3 =	vcvt.f32.s32 v3  }
0x72: {  	p0 =	sne.s32 s31, $0x20;
	[tilespmem:s0+$0xFFFFFFD0] =	vst v5;
	v2 =	vcvt.f32.s32 v61;
	v1 =	vtrunc.f32 v1  }
.Ltmp3:
0x73: {  	v0 =	vtrunc.f32 v0;
	v1 =	vcvt.f32.s32 v1;
	[tilespmem:s0+$0x10] =	vst v3;
	(pc) =	sbr.rel @p0 .LBB2_6-.Ltmp3, $4  }
0x74: {  	v62 =	vtrunc.f32 v6;
	v0 =	vcvt.f32.s32 v0;
	[tilespmem:s0+$0xFFFFFFE0] =	vst v2  }
0x75: {  	v63 =	vcvt.f32.s32 v62;
	[tilespmem:s0+$0xFFFFFFC0] =	vst v1  }
0x76: {  	[tilespmem:s0+$0xFFFFFFF0] =	vst v0  }
0x77: {  	s30 =	sadd.s32 $0x200, s30;
	s29 =	sadd.s32 $0x1, s29;
	[tilespmem:s0+$0x0] =	vst v63  }
0x78: {  	s29 =	simm.s32 $0x0  }
0x79: {  	[hbm4b:s7+s29] =	stream.linear.scatter [tilespmem:s24], [sflag:$0x4], $0x4000, $0x38;
	[tilespmem:$0x10000] =	vst v63  }
0x7a: {  	_ = 	snop  }
0x7b: {  	[tilespmem:s20], [sflag:$0x2] =	stream.linear.gather [hbm4b:s8+s29], $0x4000, $0x38;
	[tilespmem:$0x10000] =	vst v63  }
0x7c: {  	_ =	swait.ge [sflag:s21], $0x4000  }
0x7d: {  	[sflag:s21] =	ssyncset.done $0x0  }
0x7e: {  	[sflag:s21] =	ssyncadd.s32 $0xFFFFC000  }
0x7f: {  	_ =	swait.ge [sflag:s25], $0x4000  }
0x80: {  	[sflag:s25] =	ssyncset.done $0x0  }
0x81: {  	s30 =	simm.s32 $0x0;
	s31 =	simm.s32 $0x0;
	[sflag:s25] =	ssyncadd.s32 $0xFFFFC000  }
.LBB2_10:
0x82: {  	s0 =	sshll.u32 s30, $0x2;
	s1 =	sand.u32 $0x7, s29  }
0x83: {  	s0 =	sand.u32 $0xFFFFC000, s0;
	s1 =	sshll.u32 s1, $0x9  }
0x84: {  	s0 =	sor.u32 s1, s0  }
0x85: {  	s0 =	sshrl.u32 s0, $0x2  }
0x86: {  	s4 =	sor.u32 $0x40, s0  }
0x87: {  	v0 =	vld [tilespmem:s4+$0xFFFFFFD0]  }
0x88: {  	v1 =	vld [tilespmem:s4+$0x30]  }
0x89: {  	v2 =	vld [tilespmem:s4+$0x20]  }
0x8a: {  	v3 =	vld [tilespmem:s4+$0x10];
	_ =	sdelay $0x1  }
0x8b: {  	v5 =	vld [tilespmem:s4+$0xFFFFFFE0]  }
0x8c: {  	v4 =	vld [tilespmem:s4+$0xFFFFFFC0]  }
0x8d: {  	v6 =	vld [tilespmem:s4+$0xFFFFFFF0];
	v0 =	vmax.f32 v0, $9.999999970e-07;
	v1 =	vmax.f32 v1, $9.999999970e-07  }
0x8e: {  	v7 =	vld [tilespmem:s4+$0x0];
	v2 =	vmax.f32 v2, $9.999999970e-07;
	v3 =	vmax.f32 v3, $9.999999970e-07;
	v0 =	vmin.f32 v0, $9.999989860e-01  }
0x8f: {  	v1 =	vmin.f32 v1, $9.999989860e-01;
	v2 =	vmin.f32 v2, $9.999989860e-01;
	v3 =	vmin.f32 v3, $9.999989860e-01  }
0x90: {  	v8 =	vmul.f32 $6.400000000e+01, v1;
	v10 =	vmul.f32 $6.400000000e+01, v0;
	v0 =	vmax.f32 v5, $9.999999970e-07  }
0x91: {  	v1 =	vmax.f32 v4, $9.999999970e-07;
	v9 =	vmul.f32 $6.400000000e+01, v2;
	v4 =	vmin.f32 v0, $9.999989860e-01  }
0x92: {  	s1 =	sadd.s32 $0x8040, s0;
	v0 =	vmax.f32 v6, $9.999999970e-07;
	v2 =	vtrunc.f32 v8;
	v5 =	vtrunc.f32 v10  }
0x93: {  	s3 =	simm.s32 $0x0;
	s4 =	sadd.s32 $0x400, s4;
	s0 =	smov.u32 s1;
	v6 =	vmax.f32 v7, $9.999999970e-07;
	v7 =	vtrunc.f32 v9;
	v2 =	vcvt.f32.s32 v2  }
.LBB2_11:
0x94: {  	v1 =	vmin.f32 v1, $9.999989860e-01;
	v3 =	vmul.f32 $6.400000000e+01, v3  }
0x95: {  	v8 =	vld [tilespmem:s4+$0xFFFFFFD0];
	s3 =	sadd.s32 $0x80, s3;
	v7 =	vcvt.f32.s32 v7;
	s1 =	sadd.s32 $0x400, s1;
	v4 =	vmul.f32 $6.400000000e+01, v4;
	v6 =	vmin.f32 v6, $9.999989860e-01  }
0x96: {  	v5 =	vcvt.f32.s32 v5;
	v0 =	vmin.f32 v0, $9.999989860e-01;
	v9 =	vld [tilespmem:s4+$0x30];
	p0 =	slt.u32 s3, $0x180;
	v1 =	vmul.f32 $6.400000000e+01, v1  }
0x97: {  	v6 =	vmul.f32 $6.400000000e+01, v6;
	v0 =	vmul.f32 $6.400000000e+01, v0;
	v10 =	vld [tilespmem:s4+$0x20];
	[tilespmem:s0+$0x30] =	vst v2  }
0x98: {  	v4 =	vtrunc.f32 v4;
	v3 =	vtrunc.f32 v3;
	v2 =	vld [tilespmem:s4+$0x10];
	[tilespmem:s0+$0x20] =	vst v7  }
0x99: {  	v4 =	vcvt.f32.s32 v4;
	v3 =	vcvt.f32.s32 v3;
	v7 =	vld [tilespmem:s4+$0xFFFFFFC0];
	[tilespmem:s0+$0xFFFFFFD0] =	vst v5  }
0x9a: {  	v1 =	vtrunc.f32 v1;
	v6 =	vtrunc.f32 v6;
	v5 =	vmax.f32 v8, $9.999999970e-07;
	v8 =	vld [tilespmem:s4+$0xFFFFFFF0]  }
0x9b: {  	v0 =	vtrunc.f32 v0;
	v12 =	vcvt.f32.s32 v1;
	v5 =	vmin.f32 v5, $9.999989860e-01;
	v11 =	vld [tilespmem:s4+$0xFFFFFFE0];
	[tilespmem:s0+$0x10] =	vst v3  }
0x9c: {  	v0 =	vcvt.f32.s32 v0;
	v1 =	vmax.f32 v9, $9.999999970e-07;
	v3 =	vmax.f32 v10, $9.999999970e-07  }
0x9d: {  	v10 =	vmin.f32 v1, $9.999989860e-01;
	v9 =	vld [tilespmem:s4+$0x0];
	v2 =	vmax.f32 v2, $9.999999970e-07;
	[tilespmem:s0+$0xFFFFFFE0] =	vst v4;
	v4 =	vmin.f32 v3, $9.999989860e-01  }
.Ltmp4:
0x9e: {  	v1 =	vmax.f32 v7, $9.999999970e-07;
	v7 =	vmul.f32 $6.400000000e+01, v10;
	[tilespmem:s0+$0xFFFFFFC0] =	vst v12;
	(pc) =	sbr.rel @p0 .LBB2_11-.Ltmp4, $4  }
0x9f: {  	v6 =	vcvt.f32.s32 v6;
	v3 =	vmin.f32 v2, $9.999989860e-01;
	v10 =	vmul.f32 $6.400000000e+01, v4;
	[tilespmem:s0+$0xFFFFFFF0] =	vst v0  }
0xa0: {  	v5 =	vmul.f32 $6.400000000e+01, v5;
	v0 =	vmax.f32 v11, $9.999999970e-07;
	v2 =	vtrunc.f32 v7  }
0xa1: {  	v4 =	vmin.f32 v0, $9.999989860e-01;
	v0 =	vmax.f32 v8, $9.999999970e-07;
	v2 =	vcvt.f32.s32 v2;
	[tilespmem:s0+$0x0] =	vst v6;
	s0 =	smov.u32 s1  }
0xa2: {  	s4 =	sadd.s32 $0x400, s4;
	v5 =	vtrunc.f32 v5;
	v7 =	vtrunc.f32 v10;
	v6 =	vmax.f32 v9, $9.999999970e-07  }
0xa3: {  	v1 =	vmin.f32 v1, $9.999989860e-01;
	v3 =	vmul.f32 $6.400000000e+01, v3;
	v7 =	vcvt.f32.s32 v7  }
0xa4: {  	v4 =	vmul.f32 $6.400000000e+01, v4;
	v6 =	vmin.f32 v6, $9.999989860e-01;
	v5 =	vcvt.f32.s32 v5  }
0xa5: {  	v0 =	vmin.f32 v0, $9.999989860e-01;
	v1 =	vmul.f32 $6.400000000e+01, v1;
	v6 =	vmul.f32 $6.400000000e+01, v6  }
0xa6: {  	[tilespmem:s0+$0x30] =	vst v2;
	v0 =	vmul.f32 $6.400000000e+01, v0;
	v3 =	vtrunc.f32 v3  }
0xa7: {  	s31 =	sadd.s32 $0x1, s31;
	v61 =	vtrunc.f32 v4;
	[tilespmem:s0+$0x20] =	vst v7;
	v3 =	vcvt.f32.s32 v3  }
0xa8: {  	p0 =	sne.s32 s31, $0x20;
	[tilespmem:s0+$0xFFFFFFD0] =	vst v5;
	v2 =	vcvt.f32.s32 v61;
	v1 =	vtrunc.f32 v1  }
.Ltmp5:
0xa9: {  	v0 =	vtrunc.f32 v0;
	v1 =	vcvt.f32.s32 v1;
	[tilespmem:s0+$0x10] =	vst v3;
	(pc) =	sbr.rel @p0 .LBB2_10-.Ltmp5, $4  }
0xaa: {  	v62 =	vtrunc.f32 v6;
	v0 =	vcvt.f32.s32 v0;
	[tilespmem:s0+$0xFFFFFFE0] =	vst v2  }
0xab: {  	v63 =	vcvt.f32.s32 v62;
	[tilespmem:s0+$0xFFFFFFC0] =	vst v1  }
0xac: {  	[tilespmem:s0+$0xFFFFFFF0] =	vst v0  }
0xad: {  	s30 =	sadd.s32 $0x200, s30;
	s29 =	sadd.s32 $0x1, s29;
	[tilespmem:s0+$0x0] =	vst v63  }
0xae: {  	s29 =	simm.s32 $0x0  }
0xaf: {  	[hbm4b:s9+s29] =	stream.linear.scatter [tilespmem:s22], [sflag:$0x3], $0x4000, $0x38;
	[tilespmem:$0x10000] =	vst v63  }
0xb0: {  	_ = 	snop  }
0xb1: {  	[tilespmem:s29], [sflag:$0x1] =	stream.linear.gather [hbm4b:s10+s29], $0x4000, $0x38;
	[tilespmem:$0x10000] =	vst v63  }
0xb2: {  	_ =	swait.ge [sflag:s23], $0x4000  }
0xb3: {  	[sflag:s23] =	ssyncset.done $0x0  }
0xb4: {  	[sflag:s23] =	ssyncadd.s32 $0xFFFFC000  }
0xb5: {  	_ =	swait.ge [sflag:s26], $0x4000  }
0xb6: {  	[sflag:s26] =	ssyncset.done $0x0  }
0xb7: {  	s30 =	simm.s32 $0x0;
	s31 =	simm.s32 $0x0;
	[sflag:s26] =	ssyncadd.s32 $0xFFFFC000  }
.LBB2_14:
0xb8: {  	s0 =	sshll.u32 s30, $0x2;
	s1 =	sand.u32 $0x7, s29  }
0xb9: {  	s0 =	sand.u32 $0xFFFFC000, s0;
	s1 =	sshll.u32 s1, $0x9  }
0xba: {  	s0 =	sor.u32 s1, s0  }
0xbb: {  	s0 =	sshrl.u32 s0, $0x2  }
0xbc: {  	s4 =	sadd.s32 $0x4040, s0  }
0xbd: {  	v0 =	vld [tilespmem:s4+$0xFFFFFFD0]  }
0xbe: {  	v1 =	vld [tilespmem:s4+$0x30]  }
0xbf: {  	v2 =	vld [tilespmem:s4+$0x20]  }
0xc0: {  	v3 =	vld [tilespmem:s4+$0x10];
	_ =	sdelay $0x1  }
0xc1: {  	v5 =	vld [tilespmem:s4+$0xFFFFFFE0]  }
0xc2: {  	v4 =	vld [tilespmem:s4+$0xFFFFFFC0]  }
0xc3: {  	v6 =	vld [tilespmem:s4+$0xFFFFFFF0];
	v0 =	vmax.f32 v0, $9.999999970e-07;
	v1 =	vmax.f32 v1, $9.999999970e-07  }
0xc4: {  	v7 =	vld [tilespmem:s4+$0x0];
	v2 =	vmax.f32 v2, $9.999999970e-07;
	v3 =	vmax.f32 v3, $9.999999970e-07;
	v0 =	vmin.f32 v0, $9.999989860e-01  }
0xc5: {  	v1 =	vmin.f32 v1, $9.999989860e-01;
	v2 =	vmin.f32 v2, $9.999989860e-01;
	v3 =	vmin.f32 v3, $9.999989860e-01  }
0xc6: {  	v8 =	vmul.f32 $6.400000000e+01, v1;
	v10 =	vmul.f32 $6.400000000e+01, v0;
	v0 =	vmax.f32 v5, $9.999999970e-07  }
0xc7: {  	v1 =	vmax.f32 v4, $9.999999970e-07;
	v9 =	vmul.f32 $6.400000000e+01, v2;
	v4 =	vmin.f32 v0, $9.999989860e-01  }
0xc8: {  	s1 =	sadd.s32 $0xC040, s0;
	v0 =	vmax.f32 v6, $9.999999970e-07;
	v2 =	vtrunc.f32 v8;
	v5 =	vtrunc.f32 v10  }
0xc9: {  	s3 =	simm.s32 $0x0;
	s4 =	sadd.s32 $0x400, s4;
	s0 =	smov.u32 s1;
	v6 =	vmax.f32 v7, $9.999999970e-07;
	v7 =	vtrunc.f32 v9;
	v2 =	vcvt.f32.s32 v2  }
.LBB2_15:
0xca: {  	v1 =	vmin.f32 v1, $9.999989860e-01;
	v3 =	vmul.f32 $6.400000000e+01, v3  }
0xcb: {  	v8 =	vld [tilespmem:s4+$0xFFFFFFD0];
	s3 =	sadd.s32 $0x80, s3;
	v7 =	vcvt.f32.s32 v7;
	s1 =	sadd.s32 $0x400, s1;
	v4 =	vmul.f32 $6.400000000e+01, v4;
	v6 =	vmin.f32 v6, $9.999989860e-01  }
0xcc: {  	v5 =	vcvt.f32.s32 v5;
	v0 =	vmin.f32 v0, $9.999989860e-01;
	v9 =	vld [tilespmem:s4+$0x30];
	p0 =	slt.u32 s3, $0x180;
	v1 =	vmul.f32 $6.400000000e+01, v1  }
0xcd: {  	v6 =	vmul.f32 $6.400000000e+01, v6;
	v0 =	vmul.f32 $6.400000000e+01, v0;
	v10 =	vld [tilespmem:s4+$0x20];
	[tilespmem:s0+$0x30] =	vst v2  }
0xce: {  	v4 =	vtrunc.f32 v4;
	v3 =	vtrunc.f32 v3;
	v2 =	vld [tilespmem:s4+$0x10];
	[tilespmem:s0+$0x20] =	vst v7  }
0xcf: {  	v4 =	vcvt.f32.s32 v4;
	v3 =	vcvt.f32.s32 v3;
	v7 =	vld [tilespmem:s4+$0xFFFFFFC0];
	[tilespmem:s0+$0xFFFFFFD0] =	vst v5  }
0xd0: {  	v1 =	vtrunc.f32 v1;
	v6 =	vtrunc.f32 v6;
	v5 =	vmax.f32 v8, $9.999999970e-07;
	v8 =	vld [tilespmem:s4+$0xFFFFFFF0]  }
0xd1: {  	v0 =	vtrunc.f32 v0;
	v12 =	vcvt.f32.s32 v1;
	v5 =	vmin.f32 v5, $9.999989860e-01;
	v11 =	vld [tilespmem:s4+$0xFFFFFFE0];
	[tilespmem:s0+$0x10] =	vst v3  }
0xd2: {  	v0 =	vcvt.f32.s32 v0;
	v1 =	vmax.f32 v9, $9.999999970e-07;
	v3 =	vmax.f32 v10, $9.999999970e-07  }
0xd3: {  	v10 =	vmin.f32 v1, $9.999989860e-01;
	v9 =	vld [tilespmem:s4+$0x0];
	v2 =	vmax.f32 v2, $9.999999970e-07;
	[tilespmem:s0+$0xFFFFFFE0] =	vst v4;
	v4 =	vmin.f32 v3, $9.999989860e-01  }
.Ltmp6:
0xd4: {  	v1 =	vmax.f32 v7, $9.999999970e-07;
	v7 =	vmul.f32 $6.400000000e+01, v10;
	[tilespmem:s0+$0xFFFFFFC0] =	vst v12;
	(pc) =	sbr.rel @p0 .LBB2_15-.Ltmp6, $4  }
0xd5: {  	v6 =	vcvt.f32.s32 v6;
	v3 =	vmin.f32 v2, $9.999989860e-01;
	v10 =	vmul.f32 $6.400000000e+01, v4;
	[tilespmem:s0+$0xFFFFFFF0] =	vst v0  }
0xd6: {  	v5 =	vmul.f32 $6.400000000e+01, v5;
	v0 =	vmax.f32 v11, $9.999999970e-07;
	v2 =	vtrunc.f32 v7  }
0xd7: {  	v4 =	vmin.f32 v0, $9.999989860e-01;
	v0 =	vmax.f32 v8, $9.999999970e-07;
	v2 =	vcvt.f32.s32 v2;
	[tilespmem:s0+$0x0] =	vst v6;
	s0 =	smov.u32 s1  }
0xd8: {  	s4 =	sadd.s32 $0x400, s4;
	v5 =	vtrunc.f32 v5;
	v7 =	vtrunc.f32 v10;
	v6 =	vmax.f32 v9, $9.999999970e-07  }
0xd9: {  	v1 =	vmin.f32 v1, $9.999989860e-01;
	v3 =	vmul.f32 $6.400000000e+01, v3;
	v7 =	vcvt.f32.s32 v7  }
0xda: {  	v4 =	vmul.f32 $6.400000000e+01, v4;
	v6 =	vmin.f32 v6, $9.999989860e-01;
	v5 =	vcvt.f32.s32 v5  }
0xdb: {  	v0 =	vmin.f32 v0, $9.999989860e-01;
	v1 =	vmul.f32 $6.400000000e+01, v1;
	v6 =	vmul.f32 $6.400000000e+01, v6  }
0xdc: {  	[tilespmem:s0+$0x30] =	vst v2;
	v0 =	vmul.f32 $6.400000000e+01, v0;
	v3 =	vtrunc.f32 v3  }
0xdd: {  	s31 =	sadd.s32 $0x1, s31;
	v61 =	vtrunc.f32 v4;
	[tilespmem:s0+$0x20] =	vst v7;
	v3 =	vcvt.f32.s32 v3  }
0xde: {  	p0 =	sne.s32 s31, $0x20;
	[tilespmem:s0+$0xFFFFFFD0] =	vst v5;
	v2 =	vcvt.f32.s32 v61;
	v1 =	vtrunc.f32 v1  }
.Ltmp7:
0xdf: {  	v0 =	vtrunc.f32 v0;
	v1 =	vcvt.f32.s32 v1;
	[tilespmem:s0+$0x10] =	vst v3;
	(pc) =	sbr.rel @p0 .LBB2_14-.Ltmp7, $4  }
0xe0: {  	v62 =	vtrunc.f32 v6;
	v0 =	vcvt.f32.s32 v0;
	[tilespmem:s0+$0xFFFFFFE0] =	vst v2  }
0xe1: {  	v63 =	vcvt.f32.s32 v62;
	[tilespmem:s0+$0xFFFFFFC0] =	vst v1  }
0xe2: {  	[tilespmem:s0+$0xFFFFFFF0] =	vst v0  }
0xe3: {  	s30 =	sadd.s32 $0x200, s30;
	s29 =	sadd.s32 $0x1, s29;
	[tilespmem:s0+$0x0] =	vst v63  }
0xe4: {  	s29 =	simm.s32 $0x0  }
0xe5: {  	[hbm4b:s11+s29] =	stream.linear.scatter [tilespmem:s24], [sflag:$0x4], $0x4000, $0x38;
	[tilespmem:$0x10000] =	vst v63  }
0xe6: {  	_ = 	snop  }
0xe7: {  	[tilespmem:s20], [sflag:$0x2] =	stream.linear.gather [hbm4b:s12+s29], $0x4000, $0x38;
	[tilespmem:$0x10000] =	vst v63  }
0xe8: {  	_ =	swait.ge [sflag:s21], $0x4000  }
0xe9: {  	[sflag:s21] =	ssyncset.done $0x0  }
0xea: {  	[sflag:s21] =	ssyncadd.s32 $0xFFFFC000  }
0xeb: {  	_ =	swait.ge [sflag:s25], $0x4000  }
0xec: {  	[sflag:s25] =	ssyncset.done $0x0  }
0xed: {  	s30 =	simm.s32 $0x0;
	s31 =	simm.s32 $0x0;
	[sflag:s25] =	ssyncadd.s32 $0xFFFFC000  }
.LBB2_18:
0xee: {  	s0 =	sshll.u32 s30, $0x2;
	s1 =	sand.u32 $0x7, s29  }
0xef: {  	s0 =	sand.u32 $0xFFFFC000, s0;
	s1 =	sshll.u32 s1, $0x9  }
0xf0: {  	s0 =	sor.u32 s1, s0  }
0xf1: {  	s0 =	sshrl.u32 s0, $0x2  }
0xf2: {  	s4 =	sor.u32 $0x40, s0  }
0xf3: {  	v0 =	vld [tilespmem:s4+$0xFFFFFFD0]  }
0xf4: {  	v1 =	vld [tilespmem:s4+$0x30]  }
0xf5: {  	v2 =	vld [tilespmem:s4+$0x20]  }
0xf6: {  	v3 =	vld [tilespmem:s4+$0x10];
	_ =	sdelay $0x1  }
0xf7: {  	v5 =	vld [tilespmem:s4+$0xFFFFFFE0]  }
0xf8: {  	v4 =	vld [tilespmem:s4+$0xFFFFFFC0]  }
0xf9: {  	v6 =	vld [tilespmem:s4+$0xFFFFFFF0];
	v0 =	vmax.f32 v0, $9.999999970e-07;
	v1 =	vmax.f32 v1, $9.999999970e-07  }
0xfa: {  	v7 =	vld [tilespmem:s4+$0x0];
	v2 =	vmax.f32 v2, $9.999999970e-07;
	v3 =	vmax.f32 v3, $9.999999970e-07;
	v0 =	vmin.f32 v0, $9.999989860e-01  }
0xfb: {  	v1 =	vmin.f32 v1, $9.999989860e-01;
	v2 =	vmin.f32 v2, $9.999989860e-01;
	v3 =	vmin.f32 v3, $9.999989860e-01  }
0xfc: {  	v8 =	vmul.f32 $6.400000000e+01, v1;
	v10 =	vmul.f32 $6.400000000e+01, v0;
	v0 =	vmax.f32 v5, $9.999999970e-07  }
0xfd: {  	v1 =	vmax.f32 v4, $9.999999970e-07;
	v9 =	vmul.f32 $6.400000000e+01, v2;
	v4 =	vmin.f32 v0, $9.999989860e-01  }
0xfe: {  	s1 =	sadd.s32 $0x8040, s0;
	v0 =	vmax.f32 v6, $9.999999970e-07;
	v2 =	vtrunc.f32 v8;
	v5 =	vtrunc.f32 v10  }
0xff: {  	s3 =	simm.s32 $0x0;
	s4 =	sadd.s32 $0x400, s4;
	s0 =	smov.u32 s1;
	v6 =	vmax.f32 v7, $9.999999970e-07;
	v7 =	vtrunc.f32 v9;
	v2 =	vcvt.f32.s32 v2  }
.LBB2_19:
0x100: {  	v1 =	vmin.f32 v1, $9.999989860e-01;
	v3 =	vmul.f32 $6.400000000e+01, v3  }
0x101: {  	v8 =	vld [tilespmem:s4+$0xFFFFFFD0];
	s3 =	sadd.s32 $0x80, s3;
	v7 =	vcvt.f32.s32 v7;
	s1 =	sadd.s32 $0x400, s1;
	v4 =	vmul.f32 $6.400000000e+01, v4;
	v6 =	vmin.f32 v6, $9.999989860e-01  }
0x102: {  	v5 =	vcvt.f32.s32 v5;
	v0 =	vmin.f32 v0, $9.999989860e-01;
	v9 =	vld [tilespmem:s4+$0x30];
	p0 =	slt.u32 s3, $0x180;
	v1 =	vmul.f32 $6.400000000e+01, v1  }
0x103: {  	v6 =	vmul.f32 $6.400000000e+01, v6;
	v0 =	vmul.f32 $6.400000000e+01, v0;
	v10 =	vld [tilespmem:s4+$0x20];
	[tilespmem:s0+$0x30] =	vst v2  }
0x104: {  	v4 =	vtrunc.f32 v4;
	v3 =	vtrunc.f32 v3;
	v2 =	vld [tilespmem:s4+$0x10];
	[tilespmem:s0+$0x20] =	vst v7  }
0x105: {  	v4 =	vcvt.f32.s32 v4;
	v3 =	vcvt.f32.s32 v3;
	v7 =	vld [tilespmem:s4+$0xFFFFFFC0];
	[tilespmem:s0+$0xFFFFFFD0] =	vst v5  }
0x106: {  	v1 =	vtrunc.f32 v1;
	v6 =	vtrunc.f32 v6;
	v5 =	vmax.f32 v8, $9.999999970e-07;
	v8 =	vld [tilespmem:s4+$0xFFFFFFF0]  }
0x107: {  	v0 =	vtrunc.f32 v0;
	v12 =	vcvt.f32.s32 v1;
	v5 =	vmin.f32 v5, $9.999989860e-01;
	v11 =	vld [tilespmem:s4+$0xFFFFFFE0];
	[tilespmem:s0+$0x10] =	vst v3  }
0x108: {  	v0 =	vcvt.f32.s32 v0;
	v1 =	vmax.f32 v9, $9.999999970e-07;
	v3 =	vmax.f32 v10, $9.999999970e-07  }
0x109: {  	v10 =	vmin.f32 v1, $9.999989860e-01;
	v9 =	vld [tilespmem:s4+$0x0];
	v2 =	vmax.f32 v2, $9.999999970e-07;
	[tilespmem:s0+$0xFFFFFFE0] =	vst v4;
	v4 =	vmin.f32 v3, $9.999989860e-01  }
.Ltmp8:
0x10a: {  	v1 =	vmax.f32 v7, $9.999999970e-07;
	v7 =	vmul.f32 $6.400000000e+01, v10;
	[tilespmem:s0+$0xFFFFFFC0] =	vst v12;
	(pc) =	sbr.rel @p0 .LBB2_19-.Ltmp8, $4  }
0x10b: {  	v6 =	vcvt.f32.s32 v6;
	v3 =	vmin.f32 v2, $9.999989860e-01;
	v10 =	vmul.f32 $6.400000000e+01, v4;
	[tilespmem:s0+$0xFFFFFFF0] =	vst v0  }
0x10c: {  	v5 =	vmul.f32 $6.400000000e+01, v5;
	v0 =	vmax.f32 v11, $9.999999970e-07;
	v2 =	vtrunc.f32 v7  }
0x10d: {  	v4 =	vmin.f32 v0, $9.999989860e-01;
	v0 =	vmax.f32 v8, $9.999999970e-07;
	v2 =	vcvt.f32.s32 v2;
	[tilespmem:s0+$0x0] =	vst v6;
	s0 =	smov.u32 s1  }
0x10e: {  	s4 =	sadd.s32 $0x400, s4;
	v5 =	vtrunc.f32 v5;
	v7 =	vtrunc.f32 v10;
	v6 =	vmax.f32 v9, $9.999999970e-07  }
0x10f: {  	v1 =	vmin.f32 v1, $9.999989860e-01;
	v3 =	vmul.f32 $6.400000000e+01, v3;
	v7 =	vcvt.f32.s32 v7  }
0x110: {  	v4 =	vmul.f32 $6.400000000e+01, v4;
	v6 =	vmin.f32 v6, $9.999989860e-01;
	v5 =	vcvt.f32.s32 v5  }
0x111: {  	v0 =	vmin.f32 v0, $9.999989860e-01;
	v1 =	vmul.f32 $6.400000000e+01, v1;
	v6 =	vmul.f32 $6.400000000e+01, v6  }
0x112: {  	[tilespmem:s0+$0x30] =	vst v2;
	v0 =	vmul.f32 $6.400000000e+01, v0;
	v3 =	vtrunc.f32 v3  }
0x113: {  	s31 =	sadd.s32 $0x1, s31;
	v61 =	vtrunc.f32 v4;
	[tilespmem:s0+$0x20] =	vst v7;
	v3 =	vcvt.f32.s32 v3  }
0x114: {  	p0 =	sne.s32 s31, $0x20;
	[tilespmem:s0+$0xFFFFFFD0] =	vst v5;
	v2 =	vcvt.f32.s32 v61;
	v1 =	vtrunc.f32 v1  }
.Ltmp9:
0x115: {  	v0 =	vtrunc.f32 v0;
	v1 =	vcvt.f32.s32 v1;
	[tilespmem:s0+$0x10] =	vst v3;
	(pc) =	sbr.rel @p0 .LBB2_18-.Ltmp9, $4  }
0x116: {  	v62 =	vtrunc.f32 v6;
	v0 =	vcvt.f32.s32 v0;
	[tilespmem:s0+$0xFFFFFFE0] =	vst v2  }
0x117: {  	v63 =	vcvt.f32.s32 v62;
	[tilespmem:s0+$0xFFFFFFC0] =	vst v1  }
0x118: {  	[tilespmem:s0+$0xFFFFFFF0] =	vst v0  }
0x119: {  	s30 =	sadd.s32 $0x200, s30;
	s29 =	sadd.s32 $0x1, s29;
	[tilespmem:s0+$0x0] =	vst v63  }
0x11a: {  	s29 =	simm.s32 $0x0  }
0x11b: {  	[hbm4b:s13+s29] =	stream.linear.scatter [tilespmem:s22], [sflag:$0x3], $0x4000, $0x38;
	[tilespmem:$0x10000] =	vst v63  }
0x11c: {  	_ = 	snop  }
0x11d: {  	[tilespmem:s29], [sflag:$0x1] =	stream.linear.gather [hbm4b:s14+s29], $0x4000, $0x38;
	[tilespmem:$0x10000] =	vst v63  }
0x11e: {  	_ =	swait.ge [sflag:s23], $0x4000  }
0x11f: {  	[sflag:s23] =	ssyncset.done $0x0  }
0x120: {  	[sflag:s23] =	ssyncadd.s32 $0xFFFFC000  }
0x121: {  	_ =	swait.ge [sflag:s26], $0x4000  }
0x122: {  	[sflag:s26] =	ssyncset.done $0x0  }
0x123: {  	s30 =	simm.s32 $0x0;
	s31 =	simm.s32 $0x0;
	[sflag:s26] =	ssyncadd.s32 $0xFFFFC000  }
.LBB2_22:
0x124: {  	s0 =	sshll.u32 s30, $0x2;
	s1 =	sand.u32 $0x7, s29  }
0x125: {  	s0 =	sand.u32 $0xFFFFC000, s0;
	s1 =	sshll.u32 s1, $0x9  }
0x126: {  	s0 =	sor.u32 s1, s0  }
0x127: {  	s0 =	sshrl.u32 s0, $0x2  }
0x128: {  	s4 =	sadd.s32 $0x4040, s0  }
0x129: {  	v0 =	vld [tilespmem:s4+$0xFFFFFFD0]  }
0x12a: {  	v1 =	vld [tilespmem:s4+$0x30]  }
0x12b: {  	v2 =	vld [tilespmem:s4+$0x20]  }
0x12c: {  	v3 =	vld [tilespmem:s4+$0x10];
	_ =	sdelay $0x1  }
0x12d: {  	v5 =	vld [tilespmem:s4+$0xFFFFFFE0]  }
0x12e: {  	v4 =	vld [tilespmem:s4+$0xFFFFFFC0]  }
0x12f: {  	v6 =	vld [tilespmem:s4+$0xFFFFFFF0];
	v0 =	vmax.f32 v0, $9.999999970e-07;
	v1 =	vmax.f32 v1, $9.999999970e-07  }
0x130: {  	v7 =	vld [tilespmem:s4+$0x0];
	v2 =	vmax.f32 v2, $9.999999970e-07;
	v3 =	vmax.f32 v3, $9.999999970e-07;
	v0 =	vmin.f32 v0, $9.999989860e-01  }
0x131: {  	v1 =	vmin.f32 v1, $9.999989860e-01;
	v2 =	vmin.f32 v2, $9.999989860e-01;
	v3 =	vmin.f32 v3, $9.999989860e-01  }
0x132: {  	v8 =	vmul.f32 $6.400000000e+01, v1;
	v10 =	vmul.f32 $6.400000000e+01, v0;
	v0 =	vmax.f32 v5, $9.999999970e-07  }
0x133: {  	v1 =	vmax.f32 v4, $9.999999970e-07;
	v9 =	vmul.f32 $6.400000000e+01, v2;
	v4 =	vmin.f32 v0, $9.999989860e-01  }
0x134: {  	s1 =	sadd.s32 $0xC040, s0;
	v0 =	vmax.f32 v6, $9.999999970e-07;
	v2 =	vtrunc.f32 v8;
	v5 =	vtrunc.f32 v10  }
0x135: {  	s3 =	simm.s32 $0x0;
	s4 =	sadd.s32 $0x400, s4;
	s0 =	smov.u32 s1;
	v6 =	vmax.f32 v7, $9.999999970e-07;
	v7 =	vtrunc.f32 v9;
	v2 =	vcvt.f32.s32 v2  }
.LBB2_23:
0x136: {  	v1 =	vmin.f32 v1, $9.999989860e-01;
	v3 =	vmul.f32 $6.400000000e+01, v3  }
0x137: {  	v8 =	vld [tilespmem:s4+$0xFFFFFFD0];
	s3 =	sadd.s32 $0x80, s3;
	v7 =	vcvt.f32.s32 v7;
	s1 =	sadd.s32 $0x400, s1;
	v4 =	vmul.f32 $6.400000000e+01, v4;
	v6 =	vmin.f32 v6, $9.999989860e-01  }
0x138: {  	v5 =	vcvt.f32.s32 v5;
	v0 =	vmin.f32 v0, $9.999989860e-01;
	v9 =	vld [tilespmem:s4+$0x30];
	p0 =	slt.u32 s3, $0x180;
	v1 =	vmul.f32 $6.400000000e+01, v1  }
0x139: {  	v6 =	vmul.f32 $6.400000000e+01, v6;
	v0 =	vmul.f32 $6.400000000e+01, v0;
	v10 =	vld [tilespmem:s4+$0x20];
	[tilespmem:s0+$0x30] =	vst v2  }
0x13a: {  	v4 =	vtrunc.f32 v4;
	v3 =	vtrunc.f32 v3;
	v2 =	vld [tilespmem:s4+$0x10];
	[tilespmem:s0+$0x20] =	vst v7  }
0x13b: {  	v4 =	vcvt.f32.s32 v4;
	v3 =	vcvt.f32.s32 v3;
	v7 =	vld [tilespmem:s4+$0xFFFFFFC0];
	[tilespmem:s0+$0xFFFFFFD0] =	vst v5  }
0x13c: {  	v1 =	vtrunc.f32 v1;
	v6 =	vtrunc.f32 v6;
	v5 =	vmax.f32 v8, $9.999999970e-07;
	v8 =	vld [tilespmem:s4+$0xFFFFFFF0]  }
0x13d: {  	v0 =	vtrunc.f32 v0;
	v12 =	vcvt.f32.s32 v1;
	v5 =	vmin.f32 v5, $9.999989860e-01;
	v11 =	vld [tilespmem:s4+$0xFFFFFFE0];
	[tilespmem:s0+$0x10] =	vst v3  }
0x13e: {  	v0 =	vcvt.f32.s32 v0;
	v1 =	vmax.f32 v9, $9.999999970e-07;
	v3 =	vmax.f32 v10, $9.999999970e-07  }
0x13f: {  	v10 =	vmin.f32 v1, $9.999989860e-01;
	v9 =	vld [tilespmem:s4+$0x0];
	v2 =	vmax.f32 v2, $9.999999970e-07;
	[tilespmem:s0+$0xFFFFFFE0] =	vst v4;
	v4 =	vmin.f32 v3, $9.999989860e-01  }
.Ltmp10:
0x140: {  	v1 =	vmax.f32 v7, $9.999999970e-07;
	v7 =	vmul.f32 $6.400000000e+01, v10;
	[tilespmem:s0+$0xFFFFFFC0] =	vst v12;
	(pc) =	sbr.rel @p0 .LBB2_23-.Ltmp10, $4  }
0x141: {  	v6 =	vcvt.f32.s32 v6;
	v3 =	vmin.f32 v2, $9.999989860e-01;
	v10 =	vmul.f32 $6.400000000e+01, v4;
	[tilespmem:s0+$0xFFFFFFF0] =	vst v0  }
0x142: {  	v5 =	vmul.f32 $6.400000000e+01, v5;
	v0 =	vmax.f32 v11, $9.999999970e-07;
	v2 =	vtrunc.f32 v7  }
0x143: {  	v4 =	vmin.f32 v0, $9.999989860e-01;
	v0 =	vmax.f32 v8, $9.999999970e-07;
	v2 =	vcvt.f32.s32 v2;
	[tilespmem:s0+$0x0] =	vst v6;
	s0 =	smov.u32 s1  }
0x144: {  	s4 =	sadd.s32 $0x400, s4;
	v5 =	vtrunc.f32 v5;
	v7 =	vtrunc.f32 v10;
	v6 =	vmax.f32 v9, $9.999999970e-07  }
0x145: {  	v1 =	vmin.f32 v1, $9.999989860e-01;
	v3 =	vmul.f32 $6.400000000e+01, v3;
	v7 =	vcvt.f32.s32 v7  }
0x146: {  	v4 =	vmul.f32 $6.400000000e+01, v4;
	v6 =	vmin.f32 v6, $9.999989860e-01;
	v5 =	vcvt.f32.s32 v5  }
0x147: {  	v0 =	vmin.f32 v0, $9.999989860e-01;
	v1 =	vmul.f32 $6.400000000e+01, v1;
	v6 =	vmul.f32 $6.400000000e+01, v6  }
0x148: {  	[tilespmem:s0+$0x30] =	vst v2;
	v0 =	vmul.f32 $6.400000000e+01, v0;
	v3 =	vtrunc.f32 v3  }
0x149: {  	s31 =	sadd.s32 $0x1, s31;
	v61 =	vtrunc.f32 v4;
	[tilespmem:s0+$0x20] =	vst v7;
	v3 =	vcvt.f32.s32 v3  }
0x14a: {  	p0 =	sne.s32 s31, $0x20;
	[tilespmem:s0+$0xFFFFFFD0] =	vst v5;
	v2 =	vcvt.f32.s32 v61;
	v1 =	vtrunc.f32 v1  }
.Ltmp11:
0x14b: {  	v0 =	vtrunc.f32 v0;
	v1 =	vcvt.f32.s32 v1;
	[tilespmem:s0+$0x10] =	vst v3;
	(pc) =	sbr.rel @p0 .LBB2_22-.Ltmp11, $4  }
0x14c: {  	v62 =	vtrunc.f32 v6;
	v0 =	vcvt.f32.s32 v0;
	[tilespmem:s0+$0xFFFFFFE0] =	vst v2  }
0x14d: {  	v63 =	vcvt.f32.s32 v62;
	[tilespmem:s0+$0xFFFFFFC0] =	vst v1  }
0x14e: {  	[tilespmem:s0+$0xFFFFFFF0] =	vst v0  }
0x14f: {  	s30 =	sadd.s32 $0x200, s30;
	s29 =	sadd.s32 $0x1, s29;
	[tilespmem:s0+$0x0] =	vst v63  }
0x150: {  	s29 =	simm.s32 $0x0  }
0x151: {  	[hbm4b:s15+s29] =	stream.linear.scatter [tilespmem:s24], [sflag:$0x4], $0x4000, $0x38;
	[tilespmem:$0x10000] =	vst v63  }
0x152: {  	_ = 	snop  }
0x153: {  	[tilespmem:s20], [sflag:$0x2] =	stream.linear.gather [hbm4b:s16+s29], $0x4000, $0x38;
	[tilespmem:$0x10000] =	vst v63  }
0x154: {  	_ =	swait.ge [sflag:s21], $0x4000  }
0x155: {  	[sflag:s21] =	ssyncset.done $0x0  }
0x156: {  	[sflag:s21] =	ssyncadd.s32 $0xFFFFC000  }
0x157: {  	_ =	swait.ge [sflag:s25], $0x4000  }
0x158: {  	[sflag:s25] =	ssyncset.done $0x0  }
0x159: {  	s30 =	simm.s32 $0x0;
	s31 =	simm.s32 $0x0;
	[sflag:s25] =	ssyncadd.s32 $0xFFFFC000  }
.LBB2_26:
0x15a: {  	s0 =	sshll.u32 s30, $0x2;
	s1 =	sand.u32 $0x7, s29  }
0x15b: {  	s0 =	sand.u32 $0xFFFFC000, s0;
	s1 =	sshll.u32 s1, $0x9  }
0x15c: {  	s0 =	sor.u32 s1, s0  }
0x15d: {  	s0 =	sshrl.u32 s0, $0x2  }
0x15e: {  	s4 =	sor.u32 $0x40, s0  }
0x15f: {  	v0 =	vld [tilespmem:s4+$0xFFFFFFD0]  }
0x160: {  	v1 =	vld [tilespmem:s4+$0x30]  }
0x161: {  	v2 =	vld [tilespmem:s4+$0x20]  }
0x162: {  	v3 =	vld [tilespmem:s4+$0x10];
	_ =	sdelay $0x1  }
0x163: {  	v5 =	vld [tilespmem:s4+$0xFFFFFFE0]  }
0x164: {  	v4 =	vld [tilespmem:s4+$0xFFFFFFC0]  }
0x165: {  	v6 =	vld [tilespmem:s4+$0xFFFFFFF0];
	v0 =	vmax.f32 v0, $9.999999970e-07;
	v1 =	vmax.f32 v1, $9.999999970e-07  }
0x166: {  	v7 =	vld [tilespmem:s4+$0x0];
	v2 =	vmax.f32 v2, $9.999999970e-07;
	v3 =	vmax.f32 v3, $9.999999970e-07;
	v0 =	vmin.f32 v0, $9.999989860e-01  }
0x167: {  	v1 =	vmin.f32 v1, $9.999989860e-01;
	v2 =	vmin.f32 v2, $9.999989860e-01;
	v3 =	vmin.f32 v3, $9.999989860e-01  }
0x168: {  	v8 =	vmul.f32 $6.400000000e+01, v1;
	v10 =	vmul.f32 $6.400000000e+01, v0;
	v0 =	vmax.f32 v5, $9.999999970e-07  }
0x169: {  	v1 =	vmax.f32 v4, $9.999999970e-07;
	v9 =	vmul.f32 $6.400000000e+01, v2;
	v4 =	vmin.f32 v0, $9.999989860e-01  }
0x16a: {  	s1 =	sadd.s32 $0x8040, s0;
	v0 =	vmax.f32 v6, $9.999999970e-07;
	v2 =	vtrunc.f32 v8;
	v5 =	vtrunc.f32 v10  }
0x16b: {  	s3 =	simm.s32 $0x0;
	s4 =	sadd.s32 $0x400, s4;
	s0 =	smov.u32 s1;
	v6 =	vmax.f32 v7, $9.999999970e-07;
	v7 =	vtrunc.f32 v9;
	v2 =	vcvt.f32.s32 v2  }
.LBB2_27:
0x16c: {  	v1 =	vmin.f32 v1, $9.999989860e-01;
	v3 =	vmul.f32 $6.400000000e+01, v3  }
0x16d: {  	v8 =	vld [tilespmem:s4+$0xFFFFFFD0];
	s3 =	sadd.s32 $0x80, s3;
	v7 =	vcvt.f32.s32 v7;
	s1 =	sadd.s32 $0x400, s1;
	v4 =	vmul.f32 $6.400000000e+01, v4;
	v6 =	vmin.f32 v6, $9.999989860e-01  }
0x16e: {  	v5 =	vcvt.f32.s32 v5;
	v0 =	vmin.f32 v0, $9.999989860e-01;
	v9 =	vld [tilespmem:s4+$0x30];
	p0 =	slt.u32 s3, $0x180;
	v1 =	vmul.f32 $6.400000000e+01, v1  }
0x16f: {  	v6 =	vmul.f32 $6.400000000e+01, v6;
	v0 =	vmul.f32 $6.400000000e+01, v0;
	v10 =	vld [tilespmem:s4+$0x20];
	[tilespmem:s0+$0x30] =	vst v2  }
0x170: {  	v4 =	vtrunc.f32 v4;
	v3 =	vtrunc.f32 v3;
	v2 =	vld [tilespmem:s4+$0x10];
	[tilespmem:s0+$0x20] =	vst v7  }
0x171: {  	v4 =	vcvt.f32.s32 v4;
	v3 =	vcvt.f32.s32 v3;
	v7 =	vld [tilespmem:s4+$0xFFFFFFC0];
	[tilespmem:s0+$0xFFFFFFD0] =	vst v5  }
0x172: {  	v1 =	vtrunc.f32 v1;
	v6 =	vtrunc.f32 v6;
	v5 =	vmax.f32 v8, $9.999999970e-07;
	v8 =	vld [tilespmem:s4+$0xFFFFFFF0]  }
0x173: {  	v0 =	vtrunc.f32 v0;
	v12 =	vcvt.f32.s32 v1;
	v5 =	vmin.f32 v5, $9.999989860e-01;
	v11 =	vld [tilespmem:s4+$0xFFFFFFE0];
	[tilespmem:s0+$0x10] =	vst v3  }
0x174: {  	v0 =	vcvt.f32.s32 v0;
	v1 =	vmax.f32 v9, $9.999999970e-07;
	v3 =	vmax.f32 v10, $9.999999970e-07  }
0x175: {  	v10 =	vmin.f32 v1, $9.999989860e-01;
	v9 =	vld [tilespmem:s4+$0x0];
	v2 =	vmax.f32 v2, $9.999999970e-07;
	[tilespmem:s0+$0xFFFFFFE0] =	vst v4;
	v4 =	vmin.f32 v3, $9.999989860e-01  }
.Ltmp12:
0x176: {  	v1 =	vmax.f32 v7, $9.999999970e-07;
	v7 =	vmul.f32 $6.400000000e+01, v10;
	[tilespmem:s0+$0xFFFFFFC0] =	vst v12;
	(pc) =	sbr.rel @p0 .LBB2_27-.Ltmp12, $4  }
0x177: {  	v6 =	vcvt.f32.s32 v6;
	v3 =	vmin.f32 v2, $9.999989860e-01;
	v10 =	vmul.f32 $6.400000000e+01, v4;
	[tilespmem:s0+$0xFFFFFFF0] =	vst v0  }
0x178: {  	v5 =	vmul.f32 $6.400000000e+01, v5;
	v0 =	vmax.f32 v11, $9.999999970e-07;
	v2 =	vtrunc.f32 v7  }
0x179: {  	v4 =	vmin.f32 v0, $9.999989860e-01;
	v0 =	vmax.f32 v8, $9.999999970e-07;
	v2 =	vcvt.f32.s32 v2;
	[tilespmem:s0+$0x0] =	vst v6;
	s0 =	smov.u32 s1  }
0x17a: {  	s4 =	sadd.s32 $0x400, s4;
	v5 =	vtrunc.f32 v5;
	v7 =	vtrunc.f32 v10;
	v6 =	vmax.f32 v9, $9.999999970e-07  }
0x17b: {  	v1 =	vmin.f32 v1, $9.999989860e-01;
	v3 =	vmul.f32 $6.400000000e+01, v3;
	v7 =	vcvt.f32.s32 v7  }
0x17c: {  	v4 =	vmul.f32 $6.400000000e+01, v4;
	v6 =	vmin.f32 v6, $9.999989860e-01;
	v5 =	vcvt.f32.s32 v5  }
0x17d: {  	v0 =	vmin.f32 v0, $9.999989860e-01;
	v1 =	vmul.f32 $6.400000000e+01, v1;
	v6 =	vmul.f32 $6.400000000e+01, v6  }
0x17e: {  	[tilespmem:s0+$0x30] =	vst v2;
	v0 =	vmul.f32 $6.400000000e+01, v0;
	v3 =	vtrunc.f32 v3  }
0x17f: {  	s31 =	sadd.s32 $0x1, s31;
	v61 =	vtrunc.f32 v4;
	[tilespmem:s0+$0x20] =	vst v7;
	v3 =	vcvt.f32.s32 v3  }
0x180: {  	p0 =	sne.s32 s31, $0x20;
	[tilespmem:s0+$0xFFFFFFD0] =	vst v5;
	v2 =	vcvt.f32.s32 v61;
	v1 =	vtrunc.f32 v1  }
.Ltmp13:
0x181: {  	v0 =	vtrunc.f32 v0;
	v1 =	vcvt.f32.s32 v1;
	[tilespmem:s0+$0x10] =	vst v3;
	(pc) =	sbr.rel @p0 .LBB2_26-.Ltmp13, $4  }
0x182: {  	v62 =	vtrunc.f32 v6;
	v0 =	vcvt.f32.s32 v0;
	[tilespmem:s0+$0xFFFFFFE0] =	vst v2  }
0x183: {  	v63 =	vcvt.f32.s32 v62;
	[tilespmem:s0+$0xFFFFFFC0] =	vst v1  }
0x184: {  	[tilespmem:s0+$0xFFFFFFF0] =	vst v0  }
0x185: {  	s30 =	sadd.s32 $0x200, s30;
	s29 =	sadd.s32 $0x1, s29;
	[tilespmem:s0+$0x0] =	vst v63  }
0x186: {  	s29 =	simm.s32 $0x0  }
0x187: {  	[hbm4b:s17+s29] =	stream.linear.scatter [tilespmem:s22], [sflag:$0x3], $0x4000, $0x38;
	[tilespmem:$0x10000] =	vst v63  }
0x188: {  	_ =	swait.ge [sflag:s23], $0x4000  }
0x189: {  	[sflag:s23] =	ssyncset.done $0x0  }
0x18a: {  	[sflag:s23] =	ssyncadd.s32 $0xFFFFC000  }
0x18b: {  	_ =	swait.ge [sflag:s26], $0x4000  }
0x18c: {  	[sflag:s26] =	ssyncset.done $0x0  }
0x18d: {  	s30 =	simm.s32 $0x0;
	s31 =	simm.s32 $0x0;
	[sflag:s26] =	ssyncadd.s32 $0xFFFFC000  }
.LBB2_30:
0x18e: {  	s0 =	sshll.u32 s30, $0x2;
	s1 =	sand.u32 $0x7, s29  }
0x18f: {  	s0 =	sand.u32 $0xFFFFC000, s0;
	s1 =	sshll.u32 s1, $0x9  }
0x190: {  	s0 =	sor.u32 s1, s0  }
0x191: {  	s0 =	sshrl.u32 s0, $0x2  }
0x192: {  	s4 =	sadd.s32 $0x4040, s0  }
0x193: {  	v0 =	vld [tilespmem:s4+$0xFFFFFFD0]  }
0x194: {  	v1 =	vld [tilespmem:s4+$0x30]  }
0x195: {  	v2 =	vld [tilespmem:s4+$0x20]  }
0x196: {  	v3 =	vld [tilespmem:s4+$0x10];
	_ =	sdelay $0x1  }
0x197: {  	v5 =	vld [tilespmem:s4+$0xFFFFFFE0]  }
0x198: {  	v4 =	vld [tilespmem:s4+$0xFFFFFFC0]  }
0x199: {  	v6 =	vld [tilespmem:s4+$0xFFFFFFF0];
	v0 =	vmax.f32 v0, $9.999999970e-07;
	v1 =	vmax.f32 v1, $9.999999970e-07  }
0x19a: {  	v7 =	vld [tilespmem:s4+$0x0];
	v2 =	vmax.f32 v2, $9.999999970e-07;
	v3 =	vmax.f32 v3, $9.999999970e-07;
	v0 =	vmin.f32 v0, $9.999989860e-01  }
0x19b: {  	v1 =	vmin.f32 v1, $9.999989860e-01;
	v2 =	vmin.f32 v2, $9.999989860e-01;
	v3 =	vmin.f32 v3, $9.999989860e-01  }
0x19c: {  	v8 =	vmul.f32 $6.400000000e+01, v1;
	v10 =	vmul.f32 $6.400000000e+01, v0;
	v0 =	vmax.f32 v5, $9.999999970e-07  }
0x19d: {  	v1 =	vmax.f32 v4, $9.999999970e-07;
	v9 =	vmul.f32 $6.400000000e+01, v2;
	v4 =	vmin.f32 v0, $9.999989860e-01  }
0x19e: {  	s1 =	sadd.s32 $0xC040, s0;
	v0 =	vmax.f32 v6, $9.999999970e-07;
	v2 =	vtrunc.f32 v8;
	v5 =	vtrunc.f32 v10  }
0x19f: {  	s3 =	simm.s32 $0x0;
	s4 =	sadd.s32 $0x400, s4;
	s0 =	smov.u32 s1;
	v6 =	vmax.f32 v7, $9.999999970e-07;
	v7 =	vtrunc.f32 v9;
	v2 =	vcvt.f32.s32 v2  }
.LBB2_31:
0x1a0: {  	v1 =	vmin.f32 v1, $9.999989860e-01;
	v3 =	vmul.f32 $6.400000000e+01, v3  }
0x1a1: {  	v8 =	vld [tilespmem:s4+$0xFFFFFFD0];
	s3 =	sadd.s32 $0x80, s3;
	v7 =	vcvt.f32.s32 v7;
	s1 =	sadd.s32 $0x400, s1;
	v4 =	vmul.f32 $6.400000000e+01, v4;
	v6 =	vmin.f32 v6, $9.999989860e-01  }
0x1a2: {  	v5 =	vcvt.f32.s32 v5;
	v0 =	vmin.f32 v0, $9.999989860e-01;
	v9 =	vld [tilespmem:s4+$0x30];
	p0 =	slt.u32 s3, $0x180;
	v1 =	vmul.f32 $6.400000000e+01, v1  }
0x1a3: {  	v6 =	vmul.f32 $6.400000000e+01, v6;
	v0 =	vmul.f32 $6.400000000e+01, v0;
	v10 =	vld [tilespmem:s4+$0x20];
	[tilespmem:s0+$0x30] =	vst v2  }
0x1a4: {  	v4 =	vtrunc.f32 v4;
	v3 =	vtrunc.f32 v3;
	v2 =	vld [tilespmem:s4+$0x10];
	[tilespmem:s0+$0x20] =	vst v7  }
0x1a5: {  	v4 =	vcvt.f32.s32 v4;
	v3 =	vcvt.f32.s32 v3;
	v7 =	vld [tilespmem:s4+$0xFFFFFFC0];
	[tilespmem:s0+$0xFFFFFFD0] =	vst v5  }
0x1a6: {  	v1 =	vtrunc.f32 v1;
	v6 =	vtrunc.f32 v6;
	v5 =	vmax.f32 v8, $9.999999970e-07;
	v8 =	vld [tilespmem:s4+$0xFFFFFFF0]  }
0x1a7: {  	v0 =	vtrunc.f32 v0;
	v12 =	vcvt.f32.s32 v1;
	v5 =	vmin.f32 v5, $9.999989860e-01;
	v11 =	vld [tilespmem:s4+$0xFFFFFFE0];
	[tilespmem:s0+$0x10] =	vst v3  }
0x1a8: {  	v0 =	vcvt.f32.s32 v0;
	v1 =	vmax.f32 v9, $9.999999970e-07;
	v3 =	vmax.f32 v10, $9.999999970e-07  }
0x1a9: {  	v10 =	vmin.f32 v1, $9.999989860e-01;
	v9 =	vld [tilespmem:s4+$0x0];
	v2 =	vmax.f32 v2, $9.999999970e-07;
	[tilespmem:s0+$0xFFFFFFE0] =	vst v4;
	v4 =	vmin.f32 v3, $9.999989860e-01  }
.Ltmp14:
0x1aa: {  	v1 =	vmax.f32 v7, $9.999999970e-07;
	v7 =	vmul.f32 $6.400000000e+01, v10;
	[tilespmem:s0+$0xFFFFFFC0] =	vst v12;
	(pc) =	sbr.rel @p0 .LBB2_31-.Ltmp14, $4  }
0x1ab: {  	v6 =	vcvt.f32.s32 v6;
	v3 =	vmin.f32 v2, $9.999989860e-01;
	v10 =	vmul.f32 $6.400000000e+01, v4;
	[tilespmem:s0+$0xFFFFFFF0] =	vst v0  }
0x1ac: {  	v5 =	vmul.f32 $6.400000000e+01, v5;
	v0 =	vmax.f32 v11, $9.999999970e-07;
	v2 =	vtrunc.f32 v7  }
0x1ad: {  	v4 =	vmin.f32 v0, $9.999989860e-01;
	v0 =	vmax.f32 v8, $9.999999970e-07;
	v2 =	vcvt.f32.s32 v2;
	[tilespmem:s0+$0x0] =	vst v6;
	s0 =	smov.u32 s1  }
0x1ae: {  	s4 =	sadd.s32 $0x400, s4;
	v5 =	vtrunc.f32 v5;
	v7 =	vtrunc.f32 v10;
	v6 =	vmax.f32 v9, $9.999999970e-07  }
0x1af: {  	v1 =	vmin.f32 v1, $9.999989860e-01;
	v3 =	vmul.f32 $6.400000000e+01, v3;
	v7 =	vcvt.f32.s32 v7  }
0x1b0: {  	v4 =	vmul.f32 $6.400000000e+01, v4;
	v6 =	vmin.f32 v6, $9.999989860e-01;
	v5 =	vcvt.f32.s32 v5  }
0x1b1: {  	v0 =	vmin.f32 v0, $9.999989860e-01;
	v1 =	vmul.f32 $6.400000000e+01, v1;
	v6 =	vmul.f32 $6.400000000e+01, v6  }
0x1b2: {  	[tilespmem:s0+$0x30] =	vst v2;
	v0 =	vmul.f32 $6.400000000e+01, v0;
	v3 =	vtrunc.f32 v3  }
0x1b3: {  	s31 =	sadd.s32 $0x1, s31;
	v61 =	vtrunc.f32 v4;
	[tilespmem:s0+$0x20] =	vst v7;
	v3 =	vcvt.f32.s32 v3  }
0x1b4: {  	p0 =	sne.s32 s31, $0x20;
	[tilespmem:s0+$0xFFFFFFD0] =	vst v5;
	v2 =	vcvt.f32.s32 v61;
	v1 =	vtrunc.f32 v1  }
.Ltmp15:
0x1b5: {  	v0 =	vtrunc.f32 v0;
	v1 =	vcvt.f32.s32 v1;
	[tilespmem:s0+$0x10] =	vst v3;
	(pc) =	sbr.rel @p0 .LBB2_30-.Ltmp15, $4  }
0x1b6: {  	v62 =	vtrunc.f32 v6;
	v0 =	vcvt.f32.s32 v0;
	[tilespmem:s0+$0xFFFFFFE0] =	vst v2  }
0x1b7: {  	v63 =	vcvt.f32.s32 v62;
	[tilespmem:s0+$0xFFFFFFC0] =	vst v1  }
0x1b8: {  	[tilespmem:s0+$0xFFFFFFF0] =	vst v0  }
0x1b9: {  	s30 =	sadd.s32 $0x200, s30;
	s29 =	sadd.s32 $0x1, s29;
	[tilespmem:s0+$0x0] =	vst v63  }
0x1ba: {  	[hbm4b:s18+s2] =	stream.linear.scatter [tilespmem:s24], [sflag:$0x4], $0x4000, $0x38;
	[tilespmem:$0x10000] =	vst v63  }
0x1bb: {  	s28 =	sadd.s32 $0x1, s28  }
0x1bc: {  	_ =	swait.ge [sflag:s25], $0x4000;
	p0 =	sne.s32 s28, s19  }
.Ltmp16:
0x1bd: {  	[sflag:s25] =	ssyncset.done $0x0;
	(pc) =	sbr.rel @p0 .LBB2_1-.Ltmp16, $4  }
0x1be: {  	[sflag:s25] =	ssyncadd.s32 $0xFFFFC000  }
0x1bf: {  	_ =	swait.ge [sflag:s26], $0x4000  }
0x1c0: {  	[sflag:s26] =	ssyncset.done $0x0  }
0x1c1: {  	[sflag:s26] =	ssyncadd.s32 $0xFFFFC000  }
0x1c2: {  	_ =	sfence.sel $0x180000  }
0x1c3: {  	[bflag:$0x0] =	sbarrier.arrive $0xFFFF  }
0x1c4: {  	_ =	strace $0x90000047  }
0x1c5: {  	s0 =	stileid.u32;
	[bflag:$0x2] =	sbarrier.arrive $0xFFFF  }
0x1c6: {  	p0 =	sne.s32 s0, $0x0;
	s0 =	rddreg [dreg:$0x2]  }
0x1c7: {  	s0 =	sadd.s32 @!p0 $0x100000, s0  }
0x1c8: {  	[sflag:s0] =	ssyncadd.tile.s32 @!p0 $0x1;
	_ =	shalt  }
.Lfunc_end2:
_tile_overlayer_lowered:
.L_overlay_start_2:
0x1c9: {  	(tag) =	ssettag $0x2  }
0x1ca: {  	s0 =	rddreg [dreg:$0x0];
	s2 =	stileid.u32  }
0x1cb: {  	s1 =	rddreg [dreg:$0x1];
	p0 =	sne.s32 s2, $0x0  }
0x1cc: {  	s3 =	rddreg [dreg:$0x2];
	[bflag:$0x3] =	sbarrier.arrive $0xFFFF;
	s2 =	simm.s32 @!p0 $0x1C05  }
0x1cd: {  	[timem:s3], [sflag:s2] =	dma.local @!p0 [hbm:s0], s1  }
0x1ce: {  	s0 =	simm.s32 @!p0 $0x5  }
0x1cf: {  	_ =	swait.ge @!p0 [sflag:s0], s1  }
0x1d0: {  	s1 =	ssub.s32 @!p0 $0x0, s1;
	[sflag:s0] =	ssyncset.done @!p0 $0x0  }
0x1d1: {  	[sflag:s0] =	ssyncadd.s32 @!p0 s1  }
0x1d2: {  	[bflag:$0x3] =	sbarrier.arrive $0xFFFF  }
0x1d3: {  	_ =	shalt  }

</sc_bundles>
